<compile_context>
chip_gen: v7x
topology: tpu7x:2x2x1
jax: 0.10.2.dev20260603
libtpu: 0.0.44.dev20260713+nightly
codegen_flags: <defaults>
</compile_context>

<pallas_src>
import functools

import jax
import jax.numpy as jnp
from jax import lax
from jax.experimental import pallas as pl
from jax.experimental.pallas import tpu as pltpu
from jax.experimental.pallas import tpu_sc as plsc

BATCH = 16384
HIST = 200
VOCAB = 1500
EMB_DIM = 4

L = 16
NC, NS = 2, 16
NW = NC * NS
ROWS_PER_W = BATCH // NW
NCHUNK = 4
CROWS = ROWS_PER_W // NCHUNK
VPAD = 1504
EPAD = VPAD * EMB_DIM


def _body(xt_hbm, emb_hbm, wb_hbm, out_hbm,
          xb0, xb1, emb_v, s_v, wb_v, out_v, sem0, sem1):
    wid = lax.axis_index("s") * NC + lax.axis_index("c")
    iota = lax.iota(jnp.int32, L)
    xbufs = (xb0, xb1)
    sems = (sem0, sem1)
    col_base = wid * ROWS_PER_W

    def chunk_copy(c):
        return pltpu.make_async_copy(
            xt_hbm.at[:, pl.ds(col_base + c * CROWS, CROWS)],
            xbufs[c % 2], sems[c % 2])

    chunk_copy(0).start()

    pltpu.sync_copy(wb_hbm, wb_v)
    pltpu.sync_copy(emb_hbm, emb_v.at[pl.ds(0, VOCAB * EMB_DIM)])

    def bcast(i):
        return plsc.load_gather(wb_v, [jnp.full((L,), i, jnp.int32)])

    w0, w1, w2, w3, bb = bcast(1), bcast(2), bcast(3), bcast(4), bcast(5)

    def s_step(g, carry):
        fidx = (g * L + iota) * EMB_DIM
        e0 = plsc.load_gather(emb_v, [fidx])
        e1 = plsc.load_gather(emb_v, [fidx + 1])
        e2 = plsc.load_gather(emb_v, [fidx + 2])
        e3 = plsc.load_gather(emb_v, [fidx + 3])
        y = e0 * w0 + e1 * w1 + e2 * w2 + e3 * w3 + bb
        s_v[pl.ds(g * L, L)] = jnp.maximum(y, 0.0)
        return carry

    lax.fori_loop(0, VPAD // L, s_step, 0)

    zero4 = (jnp.zeros((L,), jnp.float32),) * 4

    for c in range(NCHUNK):
        chunk_copy(c).wait()
        if c + 1 < NCHUNK:
            chunk_copy(c + 1).start()
        x_v = xbufs[c % 2]

        def g_step(g, carry):
            gb = g * L

            def j_step(jj, accs):
                a = list(accs)
                for k in range(4):
                    j = jj * 4 + k
                    xi = x_v[j, pl.ds(gb, L)]
                    a[k] = a[k] + plsc.load_gather(s_v, [xi])
                return tuple(a)

            a0, a1, a2, a3 = lax.fori_loop(0, HIST // 4, j_step, zero4,
                                           unroll=2)
            out_v[pl.ds(c * CROWS + gb, L)] = (a0 + a1) + (a2 + a3)
            return carry

        lax.fori_loop(0, CROWS // L, g_step, 0)

    pltpu.sync_copy(out_v, out_hbm.at[pl.ds(col_base, ROWS_PER_W)])


_sc_call = functools.partial(
    pl.kernel,
    mesh=plsc.VectorSubcoreMesh(core_axis_name="c", subcore_axis_name="s"),
    out_type=jax.ShapeDtypeStruct((BATCH,), jnp.float32),
    compiler_params=pltpu.CompilerParams(needs_layout_passes=False,
                                         use_tc_tiling_on_sc=True),
    scratch_types=[
        pltpu.VMEM((HIST, CROWS), jnp.int32),
        pltpu.VMEM((HIST, CROWS), jnp.int32),
        pltpu.VMEM((EPAD,), jnp.float32),
        pltpu.VMEM((VPAD,), jnp.float32),
        pltpu.VMEM((L,), jnp.float32),
        pltpu.VMEM((ROWS_PER_W,), jnp.float32),
        pltpu.SemaphoreType.DMA,
        pltpu.SemaphoreType.DMA,
    ],
)(_body)


def kernel(x, emb_table, W, b):
    emb_flat = emb_table.reshape(-1)
    wb = jnp.zeros((L,), jnp.float32).at[1:1 + EMB_DIM].set(W[0]).at[1 + EMB_DIM].set(b[0])
    return _sc_call(x.T.astype(jnp.int32), emb_flat, wb)

# --- scband reference (transcript-rebuilt; emitter-appended) ---
"""Pipeline reference for scband-simple-model-62612033241643 (READ-ONLY COPY).

The authoritative reference and input builder live on the scoring server;
editing this copy changes nothing except your own understanding.
"""

import jax, jax.numpy as jnp
import numpy as np

VOCAB = 1500
EMB_DIM = 4
BATCH = 16384
HIST = 200

def setup_inputs(seed: int = 0) -> dict:
    key = jax.random.key(seed)
    k_idx, k_emb, k_w, k_b = jax.random.split(key, 4)
    x = jax.random.randint(k_idx, (BATCH, HIST), 0, VOCAB, dtype=jnp.int64 if jax.config.jax_enable_x64 else jnp.int32)
    emb_table = jax.random.normal(k_emb, (VOCAB, EMB_DIM), dtype=jnp.float32)
    W = jax.random.normal(k_w, (1, EMB_DIM), dtype=jnp.float32) * 0.5
    b = jax.random.normal(k_b, (1,), dtype=jnp.float32) * 0.1
    return {"x": x, "emb_table": emb_table, "W": W, "b": b}

def reference(x, emb_table, W, b):
    # embedding lookup: [B, L] -> [B, L, EMB_DIM]
    e = jnp.take(emb_table, x, axis=0)
    # linear: [B, L, EMB_DIM] @ [EMB_DIM, 1] + [1] -> [B, L, 1]
    y = jnp.matmul(e, W.T) + b
    # relu
    y = jnp.maximum(y, 0.0)
    # sum over dim 1 -> [B, 1], then sum over dim 1 -> [B]
    y = jnp.sum(y, axis=1)
    y = jnp.sum(y, axis=1)
    return y

if __name__ == "__main__":
    import jax
    _d = setup_inputs()
    print(jax.jit(kernel)(*tuple(_d.values())))

</pallas_src>

<mosaic_0001>
#map = affine_map<(d0, d1) -> (0, 0)>
#map1 = affine_map<(d0, d1) -> (0)>
module attributes {stable_mosaic.version = 14 : i64} {
  func.func @_body(%arg0: i32, %arg1: i32, %arg2: memref<200x16384xi32, #tpu.memory_space<hbm>>, %arg3: memref<6000xf32, #tpu.memory_space<hbm>>, %arg4: memref<16xf32, #tpu.memory_space<hbm>>, %arg5: memref<16384xf32, #tpu.memory_space<hbm>>, %arg6: memref<200x128xi32, #tpu.memory_space<vmem>>, %arg7: memref<200x128xi32, #tpu.memory_space<vmem>>, %arg8: memref<6016xf32, #tpu.memory_space<vmem>>, %arg9: memref<1504xf32, #tpu.memory_space<vmem>>, %arg10: memref<16xf32, #tpu.memory_space<vmem>>, %arg11: memref<512xf32, #tpu.memory_space<vmem>>, %arg12: memref<!tpu.dma_semaphore, #tpu.memory_space<semaphore_mem>>, %arg13: memref<!tpu.dma_semaphore, #tpu.memory_space<semaphore_mem>>) attributes {dimension_semantics = [#tpu.dimension_semantics<core_parallel>, #tpu.dimension_semantics<subcore_parallel>], iteration_bounds = array<i64: 2, 16>, scalar_prefetch = 0 : i64, scratch_operands = 8 : i64, tpu.core_type = #tpu.core_type<sc_vector_subcore>, window_params = [{transform_indices = #map}, {transform_indices = #map1}, {transform_indices = #map1}, {transform_indices = #map1}]} {
    %mul3A = arith.constant 2 : i32
    %mul3A_0 = arith.muli %arg1, %mul3A : i32
    %add3A = arith.addi %mul3A_0, %arg0 : i32
    %iota3A = tpu.iota {dimensions = array<i32: 0>} : vector<16xi32>
    %mul3A_1 = arith.constant 512 : i32
    %mul3A_2 = arith.muli %add3A, %mul3A_1 : i32
    %add3A_3 = arith.constant 0 : i32
    %add3A_4 = arith.addi %mul3A_2, %add3A_3 : i32
    %dma_start3A = arith.constant 0 : i32
    %dma_start3A_5 = tpu.memref_slice %arg2[%dma_start3A, %add3A_4] : memref<200x16384xi32, #tpu.memory_space<hbm>> -> memref<200x128xi32, #tpu.memory_space<hbm>>
    %dma_start3A_6 = arith.constant 0 : i32
    %dma_start3A_7 = tpu.memref_slice %arg2[%dma_start3A_6, %add3A_4] : memref<200x16384xi32, #tpu.memory_space<hbm>> -> memref<200x128xi32, #tpu.memory_space<hbm>>
    tpu.enqueue_dma source(%dma_start3A_7 : memref<200x128xi32, #tpu.memory_space<hbm>>) target(%arg6 : memref<200x128xi32, #tpu.memory_space<vmem>>) target_semaphore(%arg12 : memref<!tpu.dma_semaphore, #tpu.memory_space<semaphore_mem>>)
    "tpu.region"() ({
      %run_scoped3A = tpu.sem_alloc : memref<!tpu.dma_semaphore, #tpu.memory_space<semaphore_mem>>
      tpu.enqueue_dma source(%arg4 : memref<16xf32, #tpu.memory_space<hbm>>) target(%arg10 : memref<16xf32, #tpu.memory_space<vmem>>) target_semaphore(%run_scoped3A : memref<!tpu.dma_semaphore, #tpu.memory_space<semaphore_mem>>)
      tpu.wait_dma2 semaphore(%run_scoped3A : memref<!tpu.dma_semaphore, #tpu.memory_space<semaphore_mem>>) src(%arg4 : memref<16xf32, #tpu.memory_space<hbm>>) dst(%arg10 : memref<16xf32, #tpu.memory_space<vmem>>)
      tpu.yield
    }) : () -> ()
    "tpu.region"() ({
      %run_scoped3A = tpu.sem_alloc : memref<!tpu.dma_semaphore, #tpu.memory_space<semaphore_mem>>
      %dma_start3A_93 = arith.constant 0 : i32
      %dma_start3A_94 = tpu.memref_slice %arg8[%dma_start3A_93] : memref<6016xf32, #tpu.memory_space<vmem>> -> memref<6000xf32, #tpu.memory_space<vmem>>
      %dma_start3A_95 = arith.constant 0 : i32
      %dma_start3A_96 = tpu.memref_slice %arg8[%dma_start3A_95] : memref<6016xf32, #tpu.memory_space<vmem>> -> memref<6000xf32, #tpu.memory_space<vmem>>
      tpu.enqueue_dma source(%arg3 : memref<6000xf32, #tpu.memory_space<hbm>>) target(%dma_start3A_96 : memref<6000xf32, #tpu.memory_space<vmem>>) target_semaphore(%run_scoped3A : memref<!tpu.dma_semaphore, #tpu.memory_space<semaphore_mem>>)
      %dma_wait3A_97 = arith.constant 0 : i32
      %dma_wait3A_98 = tpu.memref_slice %arg8[%dma_wait3A_97] : memref<6016xf32, #tpu.memory_space<vmem>> -> memref<6000xf32, #tpu.memory_space<vmem>>
      %dma_wait3A_99 = arith.constant 0 : i32
      %dma_wait3A_100 = tpu.memref_slice %arg8[%dma_wait3A_99] : memref<6016xf32, #tpu.memory_space<vmem>> -> memref<6000xf32, #tpu.memory_space<vmem>>
      tpu.wait_dma2 semaphore(%run_scoped3A : memref<!tpu.dma_semaphore, #tpu.memory_space<semaphore_mem>>) src(%arg3 : memref<6000xf32, #tpu.memory_space<hbm>>) dst(%dma_wait3A_100 : memref<6000xf32, #tpu.memory_space<vmem>>)
      tpu.yield
    }) : () -> ()
    %broadcast_in_dim3A = arith.constant 1 : i32
    %broadcast_in_dim3A_8 = vector.broadcast %broadcast_in_dim3A : i32 to vector<16xi32>
    %gather3A = tpu.vector_load_idx %arg10[%broadcast_in_dim3A_8] : memref<16xf32, #tpu.memory_space<vmem>>[vector<16xi32>], vector<16xf32>,
    %broadcast_in_dim3A_9 = arith.constant 2 : i32
    %broadcast_in_dim3A_10 = vector.broadcast %broadcast_in_dim3A_9 : i32 to vector<16xi32>
    %gather3A_11 = tpu.vector_load_idx %arg10[%broadcast_in_dim3A_10] : memref<16xf32, #tpu.memory_space<vmem>>[vector<16xi32>], vector<16xf32>,
    %broadcast_in_dim3A_12 = arith.constant 3 : i32
    %broadcast_in_dim3A_13 = vector.broadcast %broadcast_in_dim3A_12 : i32 to vector<16xi32>
    %gather3A_14 = tpu.vector_load_idx %arg10[%broadcast_in_dim3A_13] : memref<16xf32, #tpu.memory_space<vmem>>[vector<16xi32>], vector<16xf32>,
    %broadcast_in_dim3A_15 = arith.constant 4 : i32
    %broadcast_in_dim3A_16 = vector.broadcast %broadcast_in_dim3A_15 : i32 to vector<16xi32>
    %gather3A_17 = tpu.vector_load_idx %arg10[%broadcast_in_dim3A_16] : memref<16xf32, #tpu.memory_space<vmem>>[vector<16xi32>], vector<16xf32>,
    %broadcast_in_dim3A_18 = arith.constant 5 : i32
    %broadcast_in_dim3A_19 = vector.broadcast %broadcast_in_dim3A_18 : i32 to vector<16xi32>
    %gather3A_20 = tpu.vector_load_idx %arg10[%broadcast_in_dim3A_19] : memref<16xf32, #tpu.memory_space<vmem>>[vector<16xi32>], vector<16xf32>,
    %scan3A = arith.constant 0 : i32
    %scan3A_21 = arith.constant 0 : i32
    %scan3A_22 = arith.constant 94 : i32
    %scan3A_23 = arith.addi %scan3A_21, %scan3A_22 : i32
    %scan3A_24 = arith.constant 1 : i32
    scf.for %scan3A_93 = %scan3A_21 to %scan3A_23 step %scan3A_24  : i32 {
      %mul3A_94 = arith.constant 16 : i32
      %mul3A_95 = arith.muli %scan3A_93, %mul3A_94 : i32
      %add3A_96 = vector.broadcast %mul3A_95 : i32 to vector<16xi32>
      %add3A_97 = arith.addi %add3A_96, %iota3A : vector<16xi32>
      %mul3A_98 = arith.constant 4 : i32
      %mul3A_99 = vector.broadcast %mul3A_98 : i32 to vector<16xi32>
      %mul3A_100 = arith.muli %add3A_97, %mul3A_99 : vector<16xi32>
      %gather3A_101 = tpu.vector_load_idx %arg8[%mul3A_100] : memref<6016xf32, #tpu.memory_space<vmem>>[vector<16xi32>], vector<16xf32>,
      %add3A_102 = arith.constant 1 : i32
      %add3A_103 = vector.broadcast %add3A_102 : i32 to vector<16xi32>
      %add3A_104 = arith.addi %mul3A_100, %add3A_103 : vector<16xi32>
      %gather3A_105 = tpu.vector_load_idx %arg8[%add3A_104] : memref<6016xf32, #tpu.memory_space<vmem>>[vector<16xi32>], vector<16xf32>,
      %add3A_106 = arith.constant 2 : i32
      %add3A_107 = vector.broadcast %add3A_106 : i32 to vector<16xi32>
      %add3A_108 = arith.addi %mul3A_100, %add3A_107 : vector<16xi32>
      %gather3A_109 = tpu.vector_load_idx %arg8[%add3A_108] : memref<6016xf32, #tpu.memory_space<vmem>>[vector<16xi32>], vector<16xf32>,
      %add3A_110 = arith.constant 3 : i32
      %add3A_111 = vector.broadcast %add3A_110 : i32 to vector<16xi32>
      %add3A_112 = arith.addi %mul3A_100, %add3A_111 : vector<16xi32>
      %gather3A_113 = tpu.vector_load_idx %arg8[%add3A_112] : memref<6016xf32, #tpu.memory_space<vmem>>[vector<16xi32>], vector<16xf32>,
      %mul3A_114 = arith.mulf %gather3A_101, %gather3A : vector<16xf32>
      %mul3A_115 = arith.mulf %gather3A_105, %gather3A_11 : vector<16xf32>
      %add3A_116 = arith.addf %mul3A_114, %mul3A_115 : vector<16xf32>
      %mul3A_117 = arith.mulf %gather3A_109, %gather3A_14 : vector<16xf32>
      %add3A_118 = arith.addf %add3A_116, %mul3A_117 : vector<16xf32>
      %mul3A_119 = arith.mulf %gather3A_113, %gather3A_17 : vector<16xf32>
      %add3A_120 = arith.addf %add3A_118, %mul3A_119 : vector<16xf32>
      %add3A_121 = arith.addf %add3A_120, %gather3A_20 : vector<16xf32>
      %max3A = arith.constant 0.000000e+00 : f32
      %max3A_122 = vector.broadcast %max3A : f32 to vector<16xf32>
      %max3A_123 = arith.maximumf %add3A_121, %max3A_122 : vector<16xf32>
      %mul3A_124 = arith.constant 16 : i32
      %mul3A_125 = arith.muli %scan3A_93, %mul3A_124 : i32
      %swap3A = arith.index_cast %mul3A_125 : i32 to index
      %swap3A_126 = tpu.vector_load %arg9[%swap3A] {strides = array<i32>} : memref<1504xf32, #tpu.memory_space<vmem>>, vector<16xf32>,
      tpu.vector_store %arg9[%swap3A], %max3A_123 {strides = array<i32>} : memref<1504xf32, #tpu.memory_space<vmem>>, vector<16xf32>,
    }
    %scan3A_25 = arith.constant 94 : i32
    %broadcast_in_dim3A_26 = arith.constant 0.000000e+00 : f32
    %broadcast_in_dim3A_27 = vector.broadcast %broadcast_in_dim3A_26 : f32 to vector<16xf32>
    %add3A_28 = arith.constant 0 : i32
    %add3A_29 = arith.addi %mul3A_2, %add3A_28 : i32
    %dma_wait3A = arith.constant 0 : i32
    %dma_wait3A_30 = tpu.memref_slice %arg2[%dma_wait3A, %add3A_29] : memref<200x16384xi32, #tpu.memory_space<hbm>> -> memref<200x128xi32, #tpu.memory_space<hbm>>
    %dma_wait3A_31 = arith.constant 0 : i32
    %dma_wait3A_32 = tpu.memref_slice %arg2[%dma_wait3A_31, %add3A_29] : memref<200x16384xi32, #tpu.memory_space<hbm>> -> memref<200x128xi32, #tpu.memory_space<hbm>>
    tpu.wait_dma2 semaphore(%arg12 : memref<!tpu.dma_semaphore, #tpu.memory_space<semaphore_mem>>) src(%dma_wait3A_32 : memref<200x128xi32, #tpu.memory_space<hbm>>) dst(%arg6 : memref<200x128xi32, #tpu.memory_space<vmem>>)
    %add3A_33 = arith.constant 128 : i32
    %add3A_34 = arith.addi %mul3A_2, %add3A_33 : i32
    %dma_start3A_35 = arith.constant 0 : i32
    %dma_start3A_36 = tpu.memref_slice %arg2[%dma_start3A_35, %add3A_34] : memref<200x16384xi32, #tpu.memory_space<hbm>> -> memref<200x128xi32, #tpu.memory_space<hbm>>
    %dma_start3A_37 = arith.constant 0 : i32
    %dma_start3A_38 = tpu.memref_slice %arg2[%dma_start3A_37, %add3A_34] : memref<200x16384xi32, #tpu.memory_space<hbm>> -> memref<200x128xi32, #tpu.memory_space<hbm>>
    tpu.enqueue_dma source(%dma_start3A_38 : memref<200x128xi32, #tpu.memory_space<hbm>>) target(%arg7 : memref<200x128xi32, #tpu.memory_space<vmem>>) target_semaphore(%arg13 : memref<!tpu.dma_semaphore, #tpu.memory_space<semaphore_mem>>)
    %scan3A_39 = arith.constant 0 : i32
    %scan3A_40 = arith.constant 0 : i32
    %scan3A_41 = arith.constant 8 : i32
    %scan3A_42 = arith.addi %scan3A_40, %scan3A_41 : i32
    %scan3A_43 = arith.constant 1 : i32
    scf.for %scan3A_93 = %scan3A_40 to %scan3A_42 step %scan3A_43  : i32 {
      %mul3A_94 = arith.constant 16 : i32
      %mul3A_95 = arith.muli %scan3A_93, %mul3A_94 : i32
      %scan3A_96 = arith.constant 0 : i32
      %scan3A_97 = arith.constant 50 : i32
      %scan3A_98 = arith.addi %scan3A_96, %scan3A_97 : i32
      %scan3A_99 = arith.constant 2 : i32
      %scan3A_100:4 = scf.for %scan3A_108 = %scan3A_96 to %scan3A_98 step %scan3A_99 iter_args(%scan3A_109 = %broadcast_in_dim3A_27, %scan3A_110 = %broadcast_in_dim3A_27, %scan3A_111 = %broadcast_in_dim3A_27, %scan3A_112 = %broadcast_in_dim3A_27) -> (vector<16xf32>, vector<16xf32>, vector<16xf32>, vector<16xf32>)  : i32 {
        %mul3A_113 = arith.constant 4 : i32
        %mul3A_114 = arith.muli %scan3A_108, %mul3A_113 : i32
        %add3A_115 = arith.constant 0 : i32
        %add3A_116 = arith.addi %mul3A_114, %add3A_115 : i32
        %get3A = arith.index_cast %add3A_116 : i32 to index
        %get3A_117 = arith.index_cast %mul3A_95 : i32 to index
        %get3A_118 = tpu.vector_load %arg6[%get3A, %get3A_117] {strides = array<i32>} : memref<200x128xi32, #tpu.memory_space<vmem>>, vector<16xi32>,
        %gather3A_119 = tpu.vector_load_idx %arg9[%get3A_118] : memref<1504xf32, #tpu.memory_space<vmem>>[vector<16xi32>], vector<16xf32>,
        %add3A_120 = arith.addf %scan3A_109, %gather3A_119 : vector<16xf32>
        %mul3A_121 = arith.constant 4 : i32
        %mul3A_122 = arith.muli %scan3A_108, %mul3A_121 : i32
        %add3A_123 = arith.constant 1 : i32
        %add3A_124 = arith.addi %mul3A_122, %add3A_123 : i32
        %get3A_125 = arith.index_cast %add3A_124 : i32 to index
        %get3A_126 = arith.index_cast %mul3A_95 : i32 to index
        %get3A_127 = tpu.vector_load %arg6[%get3A_125, %get3A_126] {strides = array<i32>} : memref<200x128xi32, #tpu.memory_space<vmem>>, vector<16xi32>,
        %gather3A_128 = tpu.vector_load_idx %arg9[%get3A_127] : memref<1504xf32, #tpu.memory_space<vmem>>[vector<16xi32>], vector<16xf32>,
        %add3A_129 = arith.addf %scan3A_110, %gather3A_128 : vector<16xf32>
        %mul3A_130 = arith.constant 4 : i32
        %mul3A_131 = arith.muli %scan3A_108, %mul3A_130 : i32
        %add3A_132 = arith.constant 2 : i32
        %add3A_133 = arith.addi %mul3A_131, %add3A_132 : i32
        %get3A_134 = arith.index_cast %add3A_133 : i32 to index
        %get3A_135 = arith.index_cast %mul3A_95 : i32 to index
        %get3A_136 = tpu.vector_load %arg6[%get3A_134, %get3A_135] {strides = array<i32>} : memref<200x128xi32, #tpu.memory_space<vmem>>, vector<16xi32>,
        %gather3A_137 = tpu.vector_load_idx %arg9[%get3A_136] : memref<1504xf32, #tpu.memory_space<vmem>>[vector<16xi32>], vector<16xf32>,
        %add3A_138 = arith.addf %scan3A_111, %gather3A_137 : vector<16xf32>
        %mul3A_139 = arith.constant 4 : i32
        %mul3A_140 = arith.muli %scan3A_108, %mul3A_139 : i32
        %add3A_141 = arith.constant 3 : i32
        %add3A_142 = arith.addi %mul3A_140, %add3A_141 : i32
        %get3A_143 = arith.index_cast %add3A_142 : i32 to index
        %get3A_144 = arith.index_cast %mul3A_95 : i32 to index
        %get3A_145 = tpu.vector_load %arg6[%get3A_143, %get3A_144] {strides = array<i32>} : memref<200x128xi32, #tpu.memory_space<vmem>>, vector<16xi32>,
        %gather3A_146 = tpu.vector_load_idx %arg9[%get3A_145] : memref<1504xf32, #tpu.memory_space<vmem>>[vector<16xi32>], vector<16xf32>,
        %add3A_147 = arith.addf %scan3A_112, %gather3A_146 : vector<16xf32>
        %scan3A_148 = arith.constant 1 : i32
        %scan3A_149 = arith.addi %scan3A_108, %scan3A_148 : i32
        %mul3A_150 = arith.constant 4 : i32
        %mul3A_151 = arith.muli %scan3A_149, %mul3A_150 : i32
        %add3A_152 = arith.constant 0 : i32
        %add3A_153 = arith.addi %mul3A_151, %add3A_152 : i32
        %get3A_154 = arith.index_cast %add3A_153 : i32 to index
        %get3A_155 = arith.index_cast %mul3A_95 : i32 to index
        %get3A_156 = tpu.vector_load %arg6[%get3A_154, %get3A_155] {strides = array<i32>} : memref<200x128xi32, #tpu.memory_space<vmem>>, vector<16xi32>,
        %gather3A_157 = tpu.vector_load_idx %arg9[%get3A_156] : memref<1504xf32, #tpu.memory_space<vmem>>[vector<16xi32>], vector<16xf32>,
        %add3A_158 = arith.addf %add3A_120, %gather3A_157 : vector<16xf32>
        %mul3A_159 = arith.constant 4 : i32
        %mul3A_160 = arith.muli %scan3A_149, %mul3A_159 : i32
        %add3A_161 = arith.constant 1 : i32
        %add3A_162 = arith.addi %mul3A_160, %add3A_161 : i32
        %get3A_163 = arith.index_cast %add3A_162 : i32 to index
        %get3A_164 = arith.index_cast %mul3A_95 : i32 to index
        %get3A_165 = tpu.vector_load %arg6[%get3A_163, %get3A_164] {strides = array<i32>} : memref<200x128xi32, #tpu.memory_space<vmem>>, vector<16xi32>,
        %gather3A_166 = tpu.vector_load_idx %arg9[%get3A_165] : memref<1504xf32, #tpu.memory_space<vmem>>[vector<16xi32>], vector<16xf32>,
        %add3A_167 = arith.addf %add3A_129, %gather3A_166 : vector<16xf32>
        %mul3A_168 = arith.constant 4 : i32
        %mul3A_169 = arith.muli %scan3A_149, %mul3A_168 : i32
        %add3A_170 = arith.constant 2 : i32
        %add3A_171 = arith.addi %mul3A_169, %add3A_170 : i32
        %get3A_172 = arith.index_cast %add3A_171 : i32 to index
        %get3A_173 = arith.index_cast %mul3A_95 : i32 to index
        %get3A_174 = tpu.vector_load %arg6[%get3A_172, %get3A_173] {strides = array<i32>} : memref<200x128xi32, #tpu.memory_space<vmem>>, vector<16xi32>,
        %gather3A_175 = tpu.vector_load_idx %arg9[%get3A_174] : memref<1504xf32, #tpu.memory_space<vmem>>[vector<16xi32>], vector<16xf32>,
        %add3A_176 = arith.addf %add3A_138, %gather3A_175 : vector<16xf32>
        %mul3A_177 = arith.constant 4 : i32
        %mul3A_178 = arith.muli %scan3A_149, %mul3A_177 : i32
        %add3A_179 = arith.constant 3 : i32
        %add3A_180 = arith.addi %mul3A_178, %add3A_179 : i32
        %get3A_181 = arith.index_cast %add3A_180 : i32 to index
        %get3A_182 = arith.index_cast %mul3A_95 : i32 to index
        %get3A_183 = tpu.vector_load %arg6[%get3A_181, %get3A_182] {strides = array<i32>} : memref<200x128xi32, #tpu.memory_space<vmem>>, vector<16xi32>,
        %gather3A_184 = tpu.vector_load_idx %arg9[%get3A_183] : memref<1504xf32, #tpu.memory_space<vmem>>[vector<16xi32>], vector<16xf32>,
        %add3A_185 = arith.addf %add3A_147, %gather3A_184 : vector<16xf32>
        scf.yield %add3A_158, %add3A_167, %add3A_176, %add3A_185 : vector<16xf32>, vector<16xf32>, vector<16xf32>, vector<16xf32>
      }
      %scan3A_101 = arith.constant 50 : i32
      %add3A_102 = arith.addf %scan3A_100#0, %scan3A_100#1 : vector<16xf32>
      %add3A_103 = arith.addf %scan3A_100#2, %scan3A_100#3 : vector<16xf32>
      %add3A_104 = arith.addf %add3A_102, %add3A_103 : vector<16xf32>
      %add3A_105 = arith.constant 0 : i32
      %add3A_106 = arith.addi %add3A_105, %mul3A_95 : i32
      %swap3A = arith.index_cast %add3A_106 : i32 to index
      %swap3A_107 = tpu.vector_load %arg11[%swap3A] {strides = array<i32>} : memref<512xf32, #tpu.memory_space<vmem>>, vector<16xf32>,
      tpu.vector_store %arg11[%swap3A], %add3A_104 {strides = array<i32>} : memref<512xf32, #tpu.memory_space<vmem>>, vector<16xf32>,
    }
    %scan3A_44 = arith.constant 8 : i32
    %add3A_45 = arith.constant 128 : i32
    %add3A_46 = arith.addi %mul3A_2, %add3A_45 : i32
    %dma_wait3A_47 = arith.constant 0 : i32
    %dma_wait3A_48 = tpu.memref_slice %arg2[%dma_wait3A_47, %add3A_46] : memref<200x16384xi32, #tpu.memory_space<hbm>> -> memref<200x128xi32, #tpu.memory_space<hbm>>
    %dma_wait3A_49 = arith.constant 0 : i32
    %dma_wait3A_50 = tpu.memref_slice %arg2[%dma_wait3A_49, %add3A_46] : memref<200x16384xi32, #tpu.memory_space<hbm>> -> memref<200x128xi32, #tpu.memory_space<hbm>>
    tpu.wait_dma2 semaphore(%arg13 : memref<!tpu.dma_semaphore, #tpu.memory_space<semaphore_mem>>) src(%dma_wait3A_50 : memref<200x128xi32, #tpu.memory_space<hbm>>) dst(%arg7 : memref<200x128xi32, #tpu.memory_space<vmem>>)
    %add3A_51 = arith.constant 256 : i32
    %add3A_52 = arith.addi %mul3A_2, %add3A_51 : i32
    %dma_start3A_53 = arith.constant 0 : i32
    %dma_start3A_54 = tpu.memref_slice %arg2[%dma_start3A_53, %add3A_52] : memref<200x16384xi32, #tpu.memory_space<hbm>> -> memref<200x128xi32, #tpu.memory_space<hbm>>
    %dma_start3A_55 = arith.constant 0 : i32
    %dma_start3A_56 = tpu.memref_slice %arg2[%dma_start3A_55, %add3A_52] : memref<200x16384xi32, #tpu.memory_space<hbm>> -> memref<200x128xi32, #tpu.memory_space<hbm>>
    tpu.enqueue_dma source(%dma_start3A_56 : memref<200x128xi32, #tpu.memory_space<hbm>>) target(%arg6 : memref<200x128xi32, #tpu.memory_space<vmem>>) target_semaphore(%arg12 : memref<!tpu.dma_semaphore, #tpu.memory_space<semaphore_mem>>)
    %scan3A_57 = arith.constant 0 : i32
    %scan3A_58 = arith.constant 0 : i32
    %scan3A_59 = arith.constant 8 : i32
    %scan3A_60 = arith.addi %scan3A_58, %scan3A_59 : i32
    %scan3A_61 = arith.constant 1 : i32
    scf.for %scan3A_93 = %scan3A_58 to %scan3A_60 step %scan3A_61  : i32 {
      %mul3A_94 = arith.constant 16 : i32
      %mul3A_95 = arith.muli %scan3A_93, %mul3A_94 : i32
      %scan3A_96 = arith.constant 0 : i32
      %scan3A_97 = arith.constant 50 : i32
      %scan3A_98 = arith.addi %scan3A_96, %scan3A_97 : i32
      %scan3A_99 = arith.constant 2 : i32
      %scan3A_100:4 = scf.for %scan3A_108 = %scan3A_96 to %scan3A_98 step %scan3A_99 iter_args(%scan3A_109 = %broadcast_in_dim3A_27, %scan3A_110 = %broadcast_in_dim3A_27, %scan3A_111 = %broadcast_in_dim3A_27, %scan3A_112 = %broadcast_in_dim3A_27) -> (vector<16xf32>, vector<16xf32>, vector<16xf32>, vector<16xf32>)  : i32 {
        %mul3A_113 = arith.constant 4 : i32
        %mul3A_114 = arith.muli %scan3A_108, %mul3A_113 : i32
        %add3A_115 = arith.constant 0 : i32
        %add3A_116 = arith.addi %mul3A_114, %add3A_115 : i32
        %get3A = arith.index_cast %add3A_116 : i32 to index
        %get3A_117 = arith.index_cast %mul3A_95 : i32 to index
        %get3A_118 = tpu.vector_load %arg7[%get3A, %get3A_117] {strides = array<i32>} : memref<200x128xi32, #tpu.memory_space<vmem>>, vector<16xi32>,
        %gather3A_119 = tpu.vector_load_idx %arg9[%get3A_118] : memref<1504xf32, #tpu.memory_space<vmem>>[vector<16xi32>], vector<16xf32>,
        %add3A_120 = arith.addf %scan3A_109, %gather3A_119 : vector<16xf32>
        %mul3A_121 = arith.constant 4 : i32
        %mul3A_122 = arith.muli %scan3A_108, %mul3A_121 : i32
        %add3A_123 = arith.constant 1 : i32
        %add3A_124 = arith.addi %mul3A_122, %add3A_123 : i32
        %get3A_125 = arith.index_cast %add3A_124 : i32 to index
        %get3A_126 = arith.index_cast %mul3A_95 : i32 to index
        %get3A_127 = tpu.vector_load %arg7[%get3A_125, %get3A_126] {strides = array<i32>} : memref<200x128xi32, #tpu.memory_space<vmem>>, vector<16xi32>,
        %gather3A_128 = tpu.vector_load_idx %arg9[%get3A_127] : memref<1504xf32, #tpu.memory_space<vmem>>[vector<16xi32>], vector<16xf32>,
        %add3A_129 = arith.addf %scan3A_110, %gather3A_128 : vector<16xf32>
        %mul3A_130 = arith.constant 4 : i32
        %mul3A_131 = arith.muli %scan3A_108, %mul3A_130 : i32
        %add3A_132 = arith.constant 2 : i32
        %add3A_133 = arith.addi %mul3A_131, %add3A_132 : i32
        %get3A_134 = arith.index_cast %add3A_133 : i32 to index
        %get3A_135 = arith.index_cast %mul3A_95 : i32 to index
        %get3A_136 = tpu.vector_load %arg7[%get3A_134, %get3A_135] {strides = array<i32>} : memref<200x128xi32, #tpu.memory_space<vmem>>, vector<16xi32>,
        %gather3A_137 = tpu.vector_load_idx %arg9[%get3A_136] : memref<1504xf32, #tpu.memory_space<vmem>>[vector<16xi32>], vector<16xf32>,
        %add3A_138 = arith.addf %scan3A_111, %gather3A_137 : vector<16xf32>
        %mul3A_139 = arith.constant 4 : i32
        %mul3A_140 = arith.muli %scan3A_108, %mul3A_139 : i32
        %add3A_141 = arith.constant 3 : i32
        %add3A_142 = arith.addi %mul3A_140, %add3A_141 : i32
        %get3A_143 = arith.index_cast %add3A_142 : i32 to index
        %get3A_144 = arith.index_cast %mul3A_95 : i32 to index
        %get3A_145 = tpu.vector_load %arg7[%get3A_143, %get3A_144] {strides = array<i32>} : memref<200x128xi32, #tpu.memory_space<vmem>>, vector<16xi32>,
        %gather3A_146 = tpu.vector_load_idx %arg9[%get3A_145] : memref<1504xf32, #tpu.memory_space<vmem>>[vector<16xi32>], vector<16xf32>,
        %add3A_147 = arith.addf %scan3A_112, %gather3A_146 : vector<16xf32>
        %scan3A_148 = arith.constant 1 : i32
        %scan3A_149 = arith.addi %scan3A_108, %scan3A_148 : i32
        %mul3A_150 = arith.constant 4 : i32
        %mul3A_151 = arith.muli %scan3A_149, %mul3A_150 : i32
        %add3A_152 = arith.constant 0 : i32
        %add3A_153 = arith.addi %mul3A_151, %add3A_152 : i32
        %get3A_154 = arith.index_cast %add3A_153 : i32 to index
        %get3A_155 = arith.index_cast %mul3A_95 : i32 to index
        %get3A_156 = tpu.vector_load %arg7[%get3A_154, %get3A_155] {strides = array<i32>} : memref<200x128xi32, #tpu.memory_space<vmem>>, vector<16xi32>,
        %gather3A_157 = tpu.vector_load_idx %arg9[%get3A_156] : memref<1504xf32, #tpu.memory_space<vmem>>[vector<16xi32>], vector<16xf32>,
        %add3A_158 = arith.addf %add3A_120, %gather3A_157 : vector<16xf32>
        %mul3A_159 = arith.constant 4 : i32
        %mul3A_160 = arith.muli %scan3A_149, %mul3A_159 : i32
        %add3A_161 = arith.constant 1 : i32
        %add3A_162 = arith.addi %mul3A_160, %add3A_161 : i32
        %get3A_163 = arith.index_cast %add3A_162 : i32 to index
        %get3A_164 = arith.index_cast %mul3A_95 : i32 to index
        %get3A_165 = tpu.vector_load %arg7[%get3A_163, %get3A_164] {strides = array<i32>} : memref<200x128xi32, #tpu.memory_space<vmem>>, vector<16xi32>,
        %gather3A_166 = tpu.vector_load_idx %arg9[%get3A_165] : memref<1504xf32, #tpu.memory_space<vmem>>[vector<16xi32>], vector<16xf32>,
        %add3A_167 = arith.addf %add3A_129, %gather3A_166 : vector<16xf32>
        %mul3A_168 = arith.constant 4 : i32
        %mul3A_169 = arith.muli %scan3A_149, %mul3A_168 : i32
        %add3A_170 = arith.constant 2 : i32
        %add3A_171 = arith.addi %mul3A_169, %add3A_170 : i32
        %get3A_172 = arith.index_cast %add3A_171 : i32 to index
        %get3A_173 = arith.index_cast %mul3A_95 : i32 to index
        %get3A_174 = tpu.vector_load %arg7[%get3A_172, %get3A_173] {strides = array<i32>} : memref<200x128xi32, #tpu.memory_space<vmem>>, vector<16xi32>,
        %gather3A_175 = tpu.vector_load_idx %arg9[%get3A_174] : memref<1504xf32, #tpu.memory_space<vmem>>[vector<16xi32>], vector<16xf32>,
        %add3A_176 = arith.addf %add3A_138, %gather3A_175 : vector<16xf32>
        %mul3A_177 = arith.constant 4 : i32
        %mul3A_178 = arith.muli %scan3A_149, %mul3A_177 : i32
        %add3A_179 = arith.constant 3 : i32
        %add3A_180 = arith.addi %mul3A_178, %add3A_179 : i32
        %get3A_181 = arith.index_cast %add3A_180 : i32 to index
        %get3A_182 = arith.index_cast %mul3A_95 : i32 to index
        %get3A_183 = tpu.vector_load %arg7[%get3A_181, %get3A_182] {strides = array<i32>} : memref<200x128xi32, #tpu.memory_space<vmem>>, vector<16xi32>,
        %gather3A_184 = tpu.vector_load_idx %arg9[%get3A_183] : memref<1504xf32, #tpu.memory_space<vmem>>[vector<16xi32>], vector<16xf32>,
        %add3A_185 = arith.addf %add3A_147, %gather3A_184 : vector<16xf32>
        scf.yield %add3A_158, %add3A_167, %add3A_176, %add3A_185 : vector<16xf32>, vector<16xf32>, vector<16xf32>, vector<16xf32>
      }
      %scan3A_101 = arith.constant 50 : i32
      %add3A_102 = arith.addf %scan3A_100#0, %scan3A_100#1 : vector<16xf32>
      %add3A_103 = arith.addf %scan3A_100#2, %scan3A_100#3 : vector<16xf32>
      %add3A_104 = arith.addf %add3A_102, %add3A_103 : vector<16xf32>
      %add3A_105 = arith.constant 128 : i32
      %add3A_106 = arith.addi %add3A_105, %mul3A_95 : i32
      %swap3A = arith.index_cast %add3A_106 : i32 to index
      %swap3A_107 = tpu.vector_load %arg11[%swap3A] {strides = array<i32>} : memref<512xf32, #tpu.memory_space<vmem>>, vector<16xf32>,
      tpu.vector_store %arg11[%swap3A], %add3A_104 {strides = array<i32>} : memref<512xf32, #tpu.memory_space<vmem>>, vector<16xf32>,
    }
    %scan3A_62 = arith.constant 8 : i32
    %add3A_63 = arith.constant 256 : i32
    %add3A_64 = arith.addi %mul3A_2, %add3A_63 : i32
    %dma_wait3A_65 = arith.constant 0 : i32
    %dma_wait3A_66 = tpu.memref_slice %arg2[%dma_wait3A_65, %add3A_64] : memref<200x16384xi32, #tpu.memory_space<hbm>> -> memref<200x128xi32, #tpu.memory_space<hbm>>
    %dma_wait3A_67 = arith.constant 0 : i32
    %dma_wait3A_68 = tpu.memref_slice %arg2[%dma_wait3A_67, %add3A_64] : memref<200x16384xi32, #tpu.memory_space<hbm>> -> memref<200x128xi32, #tpu.memory_space<hbm>>
    tpu.wait_dma2 semaphore(%arg12 : memref<!tpu.dma_semaphore, #tpu.memory_space<semaphore_mem>>) src(%dma_wait3A_68 : memref<200x128xi32, #tpu.memory_space<hbm>>) dst(%arg6 : memref<200x128xi32, #tpu.memory_space<vmem>>)
    %add3A_69 = arith.constant 384 : i32
    %add3A_70 = arith.addi %mul3A_2, %add3A_69 : i32
    %dma_start3A_71 = arith.constant 0 : i32
    %dma_start3A_72 = tpu.memref_slice %arg2[%dma_start3A_71, %add3A_70] : memref<200x16384xi32, #tpu.memory_space<hbm>> -> memref<200x128xi32, #tpu.memory_space<hbm>>
    %dma_start3A_73 = arith.constant 0 : i32
    %dma_start3A_74 = tpu.memref_slice %arg2[%dma_start3A_73, %add3A_70] : memref<200x16384xi32, #tpu.memory_space<hbm>> -> memref<200x128xi32, #tpu.memory_space<hbm>>
    tpu.enqueue_dma source(%dma_start3A_74 : memref<200x128xi32, #tpu.memory_space<hbm>>) target(%arg7 : memref<200x128xi32, #tpu.memory_space<vmem>>) target_semaphore(%arg13 : memref<!tpu.dma_semaphore, #tpu.memory_space<semaphore_mem>>)
    %scan3A_75 = arith.constant 0 : i32
    %scan3A_76 = arith.constant 0 : i32
    %scan3A_77 = arith.constant 8 : i32
    %scan3A_78 = arith.addi %scan3A_76, %scan3A_77 : i32
    %scan3A_79 = arith.constant 1 : i32
    scf.for %scan3A_93 = %scan3A_76 to %scan3A_78 step %scan3A_79  : i32 {
      %mul3A_94 = arith.constant 16 : i32
      %mul3A_95 = arith.muli %scan3A_93, %mul3A_94 : i32
      %scan3A_96 = arith.constant 0 : i32
      %scan3A_97 = arith.constant 50 : i32
      %scan3A_98 = arith.addi %scan3A_96, %scan3A_97 : i32
      %scan3A_99 = arith.constant 2 : i32
      %scan3A_100:4 = scf.for %scan3A_108 = %scan3A_96 to %scan3A_98 step %scan3A_99 iter_args(%scan3A_109 = %broadcast_in_dim3A_27, %scan3A_110 = %broadcast_in_dim3A_27, %scan3A_111 = %broadcast_in_dim3A_27, %scan3A_112 = %broadcast_in_dim3A_27) -> (vector<16xf32>, vector<16xf32>, vector<16xf32>, vector<16xf32>)  : i32 {
        %mul3A_113 = arith.constant 4 : i32
        %mul3A_114 = arith.muli %scan3A_108, %mul3A_113 : i32
        %add3A_115 = arith.constant 0 : i32
        %add3A_116 = arith.addi %mul3A_114, %add3A_115 : i32
        %get3A = arith.index_cast %add3A_116 : i32 to index
        %get3A_117 = arith.index_cast %mul3A_95 : i32 to index
        %get3A_118 = tpu.vector_load %arg6[%get3A, %get3A_117] {strides = array<i32>} : memref<200x128xi32, #tpu.memory_space<vmem>>, vector<16xi32>,
        %gather3A_119 = tpu.vector_load_idx %arg9[%get3A_118] : memref<1504xf32, #tpu.memory_space<vmem>>[vector<16xi32>], vector<16xf32>,
        %add3A_120 = arith.addf %scan3A_109, %gather3A_119 : vector<16xf32>
        %mul3A_121 = arith.constant 4 : i32
        %mul3A_122 = arith.muli %scan3A_108, %mul3A_121 : i32
        %add3A_123 = arith.constant 1 : i32
        %add3A_124 = arith.addi %mul3A_122, %add3A_123 : i32
        %get3A_125 = arith.index_cast %add3A_124 : i32 to index
        %get3A_126 = arith.index_cast %mul3A_95 : i32 to index
        %get3A_127 = tpu.vector_load %arg6[%get3A_125, %get3A_126] {strides = array<i32>} : memref<200x128xi32, #tpu.memory_space<vmem>>, vector<16xi32>,
        %gather3A_128 = tpu.vector_load_idx %arg9[%get3A_127] : memref<1504xf32, #tpu.memory_space<vmem>>[vector<16xi32>], vector<16xf32>,
        %add3A_129 = arith.addf %scan3A_110, %gather3A_128 : vector<16xf32>
        %mul3A_130 = arith.constant 4 : i32
        %mul3A_131 = arith.muli %scan3A_108, %mul3A_130 : i32
        %add3A_132 = arith.constant 2 : i32
        %add3A_133 = arith.addi %mul3A_131, %add3A_132 : i32
        %get3A_134 = arith.index_cast %add3A_133 : i32 to index
        %get3A_135 = arith.index_cast %mul3A_95 : i32 to index
        %get3A_136 = tpu.vector_load %arg6[%get3A_134, %get3A_135] {strides = array<i32>} : memref<200x128xi32, #tpu.memory_space<vmem>>, vector<16xi32>,
        %gather3A_137 = tpu.vector_load_idx %arg9[%get3A_136] : memref<1504xf32, #tpu.memory_space<vmem>>[vector<16xi32>], vector<16xf32>,
        %add3A_138 = arith.addf %scan3A_111, %gather3A_137 : vector<16xf32>
        %mul3A_139 = arith.constant 4 : i32
        %mul3A_140 = arith.muli %scan3A_108, %mul3A_139 : i32
        %add3A_141 = arith.constant 3 : i32
        %add3A_142 = arith.addi %mul3A_140, %add3A_141 : i32
        %get3A_143 = arith.index_cast %add3A_142 : i32 to index
        %get3A_144 = arith.index_cast %mul3A_95 : i32 to index
        %get3A_145 = tpu.vector_load %arg6[%get3A_143, %get3A_144] {strides = array<i32>} : memref<200x128xi32, #tpu.memory_space<vmem>>, vector<16xi32>,
        %gather3A_146 = tpu.vector_load_idx %arg9[%get3A_145] : memref<1504xf32, #tpu.memory_space<vmem>>[vector<16xi32>], vector<16xf32>,
        %add3A_147 = arith.addf %scan3A_112, %gather3A_146 : vector<16xf32>
        %scan3A_148 = arith.constant 1 : i32
        %scan3A_149 = arith.addi %scan3A_108, %scan3A_148 : i32
        %mul3A_150 = arith.constant 4 : i32
        %mul3A_151 = arith.muli %scan3A_149, %mul3A_150 : i32
        %add3A_152 = arith.constant 0 : i32
        %add3A_153 = arith.addi %mul3A_151, %add3A_152 : i32
        %get3A_154 = arith.index_cast %add3A_153 : i32 to index
        %get3A_155 = arith.index_cast %mul3A_95 : i32 to index
        %get3A_156 = tpu.vector_load %arg6[%get3A_154, %get3A_155] {strides = array<i32>} : memref<200x128xi32, #tpu.memory_space<vmem>>, vector<16xi32>,
        %gather3A_157 = tpu.vector_load_idx %arg9[%get3A_156] : memref<1504xf32, #tpu.memory_space<vmem>>[vector<16xi32>], vector<16xf32>,
        %add3A_158 = arith.addf %add3A_120, %gather3A_157 : vector<16xf32>
        %mul3A_159 = arith.constant 4 : i32
        %mul3A_160 = arith.muli %scan3A_149, %mul3A_159 : i32
        %add3A_161 = arith.constant 1 : i32
        %add3A_162 = arith.addi %mul3A_160, %add3A_161 : i32
        %get3A_163 = arith.index_cast %add3A_162 : i32 to index
        %get3A_164 = arith.index_cast %mul3A_95 : i32 to index
        %get3A_165 = tpu.vector_load %arg6[%get3A_163, %get3A_164] {strides = array<i32>} : memref<200x128xi32, #tpu.memory_space<vmem>>, vector<16xi32>,
        %gather3A_166 = tpu.vector_load_idx %arg9[%get3A_165] : memref<1504xf32, #tpu.memory_space<vmem>>[vector<16xi32>], vector<16xf32>,
        %add3A_167 = arith.addf %add3A_129, %gather3A_166 : vector<16xf32>
        %mul3A_168 = arith.constant 4 : i32
        %mul3A_169 = arith.muli %scan3A_149, %mul3A_168 : i32
        %add3A_170 = arith.constant 2 : i32
        %add3A_171 = arith.addi %mul3A_169, %add3A_170 : i32
        %get3A_172 = arith.index_cast %add3A_171 : i32 to index
        %get3A_173 = arith.index_cast %mul3A_95 : i32 to index
        %get3A_174 = tpu.vector_load %arg6[%get3A_172, %get3A_173] {strides = array<i32>} : memref<200x128xi32, #tpu.memory_space<vmem>>, vector<16xi32>,
        %gather3A_175 = tpu.vector_load_idx %arg9[%get3A_174] : memref<1504xf32, #tpu.memory_space<vmem>>[vector<16xi32>], vector<16xf32>,
        %add3A_176 = arith.addf %add3A_138, %gather3A_175 : vector<16xf32>
        %mul3A_177 = arith.constant 4 : i32
        %mul3A_178 = arith.muli %scan3A_149, %mul3A_177 : i32
        %add3A_179 = arith.constant 3 : i32
        %add3A_180 = arith.addi %mul3A_178, %add3A_179 : i32
        %get3A_181 = arith.index_cast %add3A_180 : i32 to index
        %get3A_182 = arith.index_cast %mul3A_95 : i32 to index
        %get3A_183 = tpu.vector_load %arg6[%get3A_181, %get3A_182] {strides = array<i32>} : memref<200x128xi32, #tpu.memory_space<vmem>>, vector<16xi32>,
        %gather3A_184 = tpu.vector_load_idx %arg9[%get3A_183] : memref<1504xf32, #tpu.memory_space<vmem>>[vector<16xi32>], vector<16xf32>,
        %add3A_185 = arith.addf %add3A_147, %gather3A_184 : vector<16xf32>
        scf.yield %add3A_158, %add3A_167, %add3A_176, %add3A_185 : vector<16xf32>, vector<16xf32>, vector<16xf32>, vector<16xf32>
      }
      %scan3A_101 = arith.constant 50 : i32
      %add3A_102 = arith.addf %scan3A_100#0, %scan3A_100#1 : vector<16xf32>
      %add3A_103 = arith.addf %scan3A_100#2, %scan3A_100#3 : vector<16xf32>
      %add3A_104 = arith.addf %add3A_102, %add3A_103 : vector<16xf32>
      %add3A_105 = arith.constant 256 : i32
      %add3A_106 = arith.addi %add3A_105, %mul3A_95 : i32
      %swap3A = arith.index_cast %add3A_106 : i32 to index
      %swap3A_107 = tpu.vector_load %arg11[%swap3A] {strides = array<i32>} : memref<512xf32, #tpu.memory_space<vmem>>, vector<16xf32>,
      tpu.vector_store %arg11[%swap3A], %add3A_104 {strides = array<i32>} : memref<512xf32, #tpu.memory_space<vmem>>, vector<16xf32>,
    }
    %scan3A_80 = arith.constant 8 : i32
    %add3A_81 = arith.constant 384 : i32
    %add3A_82 = arith.addi %mul3A_2, %add3A_81 : i32
    %dma_wait3A_83 = arith.constant 0 : i32
    %dma_wait3A_84 = tpu.memref_slice %arg2[%dma_wait3A_83, %add3A_82] : memref<200x16384xi32, #tpu.memory_space<hbm>> -> memref<200x128xi32, #tpu.memory_space<hbm>>
    %dma_wait3A_85 = arith.constant 0 : i32
    %dma_wait3A_86 = tpu.memref_slice %arg2[%dma_wait3A_85, %add3A_82] : memref<200x16384xi32, #tpu.memory_space<hbm>> -> memref<200x128xi32, #tpu.memory_space<hbm>>
    tpu.wait_dma2 semaphore(%arg13 : memref<!tpu.dma_semaphore, #tpu.memory_space<semaphore_mem>>) src(%dma_wait3A_86 : memref<200x128xi32, #tpu.memory_space<hbm>>) dst(%arg7 : memref<200x128xi32, #tpu.memory_space<vmem>>)
    %scan3A_87 = arith.constant 0 : i32
    %scan3A_88 = arith.constant 0 : i32
    %scan3A_89 = arith.constant 8 : i32
    %scan3A_90 = arith.addi %scan3A_88, %scan3A_89 : i32
    %scan3A_91 = arith.constant 1 : i32
    scf.for %scan3A_93 = %scan3A_88 to %scan3A_90 step %scan3A_91  : i32 {
      %mul3A_94 = arith.constant 16 : i32
      %mul3A_95 = arith.muli %scan3A_93, %mul3A_94 : i32
      %scan3A_96 = arith.constant 0 : i32
      %scan3A_97 = arith.constant 50 : i32
      %scan3A_98 = arith.addi %scan3A_96, %scan3A_97 : i32
      %scan3A_99 = arith.constant 2 : i32
      %scan3A_100:4 = scf.for %scan3A_108 = %scan3A_96 to %scan3A_98 step %scan3A_99 iter_args(%scan3A_109 = %broadcast_in_dim3A_27, %scan3A_110 = %broadcast_in_dim3A_27, %scan3A_111 = %broadcast_in_dim3A_27, %scan3A_112 = %broadcast_in_dim3A_27) -> (vector<16xf32>, vector<16xf32>, vector<16xf32>, vector<16xf32>)  : i32 {
        %mul3A_113 = arith.constant 4 : i32
        %mul3A_114 = arith.muli %scan3A_108, %mul3A_113 : i32
        %add3A_115 = arith.constant 0 : i32
        %add3A_116 = arith.addi %mul3A_114, %add3A_115 : i32
        %get3A = arith.index_cast %add3A_116 : i32 to index
        %get3A_117 = arith.index_cast %mul3A_95 : i32 to index
        %get3A_118 = tpu.vector_load %arg7[%get3A, %get3A_117] {strides = array<i32>} : memref<200x128xi32, #tpu.memory_space<vmem>>, vector<16xi32>,
        %gather3A_119 = tpu.vector_load_idx %arg9[%get3A_118] : memref<1504xf32, #tpu.memory_space<vmem>>[vector<16xi32>], vector<16xf32>,
        %add3A_120 = arith.addf %scan3A_109, %gather3A_119 : vector<16xf32>
        %mul3A_121 = arith.constant 4 : i32
        %mul3A_122 = arith.muli %scan3A_108, %mul3A_121 : i32
        %add3A_123 = arith.constant 1 : i32
        %add3A_124 = arith.addi %mul3A_122, %add3A_123 : i32
        %get3A_125 = arith.index_cast %add3A_124 : i32 to index
        %get3A_126 = arith.index_cast %mul3A_95 : i32 to index
        %get3A_127 = tpu.vector_load %arg7[%get3A_125, %get3A_126] {strides = array<i32>} : memref<200x128xi32, #tpu.memory_space<vmem>>, vector<16xi32>,
        %gather3A_128 = tpu.vector_load_idx %arg9[%get3A_127] : memref<1504xf32, #tpu.memory_space<vmem>>[vector<16xi32>], vector<16xf32>,
        %add3A_129 = arith.addf %scan3A_110, %gather3A_128 : vector<16xf32>
        %mul3A_130 = arith.constant 4 : i32
        %mul3A_131 = arith.muli %scan3A_108, %mul3A_130 : i32
        %add3A_132 = arith.constant 2 : i32
        %add3A_133 = arith.addi %mul3A_131, %add3A_132 : i32
        %get3A_134 = arith.index_cast %add3A_133 : i32 to index
        %get3A_135 = arith.index_cast %mul3A_95 : i32 to index
        %get3A_136 = tpu.vector_load %arg7[%get3A_134, %get3A_135] {strides = array<i32>} : memref<200x128xi32, #tpu.memory_space<vmem>>, vector<16xi32>,
        %gather3A_137 = tpu.vector_load_idx %arg9[%get3A_136] : memref<1504xf32, #tpu.memory_space<vmem>>[vector<16xi32>], vector<16xf32>,
        %add3A_138 = arith.addf %scan3A_111, %gather3A_137 : vector<16xf32>
        %mul3A_139 = arith.constant 4 : i32
        %mul3A_140 = arith.muli %scan3A_108, %mul3A_139 : i32
        %add3A_141 = arith.constant 3 : i32
        %add3A_142 = arith.addi %mul3A_140, %add3A_141 : i32
        %get3A_143 = arith.index_cast %add3A_142 : i32 to index
        %get3A_144 = arith.index_cast %mul3A_95 : i32 to index
        %get3A_145 = tpu.vector_load %arg7[%get3A_143, %get3A_144] {strides = array<i32>} : memref<200x128xi32, #tpu.memory_space<vmem>>, vector<16xi32>,
        %gather3A_146 = tpu.vector_load_idx %arg9[%get3A_145] : memref<1504xf32, #tpu.memory_space<vmem>>[vector<16xi32>], vector<16xf32>,
        %add3A_147 = arith.addf %scan3A_112, %gather3A_146 : vector<16xf32>
        %scan3A_148 = arith.constant 1 : i32
        %scan3A_149 = arith.addi %scan3A_108, %scan3A_148 : i32
        %mul3A_150 = arith.constant 4 : i32
        %mul3A_151 = arith.muli %scan3A_149, %mul3A_150 : i32
        %add3A_152 = arith.constant 0 : i32
        %add3A_153 = arith.addi %mul3A_151, %add3A_152 : i32
        %get3A_154 = arith.index_cast %add3A_153 : i32 to index
        %get3A_155 = arith.index_cast %mul3A_95 : i32 to index
        %get3A_156 = tpu.vector_load %arg7[%get3A_154, %get3A_155] {strides = array<i32>} : memref<200x128xi32, #tpu.memory_space<vmem>>, vector<16xi32>,
        %gather3A_157 = tpu.vector_load_idx %arg9[%get3A_156] : memref<1504xf32, #tpu.memory_space<vmem>>[vector<16xi32>], vector<16xf32>,
        %add3A_158 = arith.addf %add3A_120, %gather3A_157 : vector<16xf32>
        %mul3A_159 = arith.constant 4 : i32
        %mul3A_160 = arith.muli %scan3A_149, %mul3A_159 : i32
        %add3A_161 = arith.constant 1 : i32
        %add3A_162 = arith.addi %mul3A_160, %add3A_161 : i32
        %get3A_163 = arith.index_cast %add3A_162 : i32 to index
        %get3A_164 = arith.index_cast %mul3A_95 : i32 to index
        %get3A_165 = tpu.vector_load %arg7[%get3A_163, %get3A_164] {strides = array<i32>} : memref<200x128xi32, #tpu.memory_space<vmem>>, vector<16xi32>,
        %gather3A_166 = tpu.vector_load_idx %arg9[%get3A_165] : memref<1504xf32, #tpu.memory_space<vmem>>[vector<16xi32>], vector<16xf32>,
        %add3A_167 = arith.addf %add3A_129, %gather3A_166 : vector<16xf32>
        %mul3A_168 = arith.constant 4 : i32
        %mul3A_169 = arith.muli %scan3A_149, %mul3A_168 : i32
        %add3A_170 = arith.constant 2 : i32
        %add3A_171 = arith.addi %mul3A_169, %add3A_170 : i32
        %get3A_172 = arith.index_cast %add3A_171 : i32 to index
        %get3A_173 = arith.index_cast %mul3A_95 : i32 to index
        %get3A_174 = tpu.vector_load %arg7[%get3A_172, %get3A_173] {strides = array<i32>} : memref<200x128xi32, #tpu.memory_space<vmem>>, vector<16xi32>,
        %gather3A_175 = tpu.vector_load_idx %arg9[%get3A_174] : memref<1504xf32, #tpu.memory_space<vmem>>[vector<16xi32>], vector<16xf32>,
        %add3A_176 = arith.addf %add3A_138, %gather3A_175 : vector<16xf32>
        %mul3A_177 = arith.constant 4 : i32
        %mul3A_178 = arith.muli %scan3A_149, %mul3A_177 : i32
        %add3A_179 = arith.constant 3 : i32
        %add3A_180 = arith.addi %mul3A_178, %add3A_179 : i32
        %get3A_181 = arith.index_cast %add3A_180 : i32 to index
        %get3A_182 = arith.index_cast %mul3A_95 : i32 to index
        %get3A_183 = tpu.vector_load %arg7[%get3A_181, %get3A_182] {strides = array<i32>} : memref<200x128xi32, #tpu.memory_space<vmem>>, vector<16xi32>,
        %gather3A_184 = tpu.vector_load_idx %arg9[%get3A_183] : memref<1504xf32, #tpu.memory_space<vmem>>[vector<16xi32>], vector<16xf32>,
        %add3A_185 = arith.addf %add3A_147, %gather3A_184 : vector<16xf32>
        scf.yield %add3A_158, %add3A_167, %add3A_176, %add3A_185 : vector<16xf32>, vector<16xf32>, vector<16xf32>, vector<16xf32>
      }
      %scan3A_101 = arith.constant 50 : i32
      %add3A_102 = arith.addf %scan3A_100#0, %scan3A_100#1 : vector<16xf32>
      %add3A_103 = arith.addf %scan3A_100#2, %scan3A_100#3 : vector<16xf32>
      %add3A_104 = arith.addf %add3A_102, %add3A_103 : vector<16xf32>
      %add3A_105 = arith.constant 384 : i32
      %add3A_106 = arith.addi %add3A_105, %mul3A_95 : i32
      %swap3A = arith.index_cast %add3A_106 : i32 to index
      %swap3A_107 = tpu.vector_load %arg11[%swap3A] {strides = array<i32>} : memref<512xf32, #tpu.memory_space<vmem>>, vector<16xf32>,
      tpu.vector_store %arg11[%swap3A], %add3A_104 {strides = array<i32>} : memref<512xf32, #tpu.memory_space<vmem>>, vector<16xf32>,
    }
    %scan3A_92 = arith.constant 8 : i32
    "tpu.region"() ({
      %run_scoped3A = tpu.sem_alloc : memref<!tpu.dma_semaphore, #tpu.memory_space<semaphore_mem>>
      %dma_start3A_93 = tpu.memref_slice %arg5[%mul3A_2] : memref<16384xf32, #tpu.memory_space<hbm>> -> memref<512xf32, #tpu.memory_space<hbm>>
      %dma_start3A_94 = tpu.memref_slice %arg5[%mul3A_2] : memref<16384xf32, #tpu.memory_space<hbm>> -> memref<512xf32, #tpu.memory_space<hbm>>
      tpu.enqueue_dma source(%arg11 : memref<512xf32, #tpu.memory_space<vmem>>) target(%dma_start3A_94 : memref<512xf32, #tpu.memory_space<hbm>>) target_semaphore(%run_scoped3A : memref<!tpu.dma_semaphore, #tpu.memory_space<semaphore_mem>>)
      %dma_wait3A_95 = tpu.memref_slice %arg5[%mul3A_2] : memref<16384xf32, #tpu.memory_space<hbm>> -> memref<512xf32, #tpu.memory_space<hbm>>
      %dma_wait3A_96 = tpu.memref_slice %arg5[%mul3A_2] : memref<16384xf32, #tpu.memory_space<hbm>> -> memref<512xf32, #tpu.memory_space<hbm>>
      tpu.wait_dma2 semaphore(%run_scoped3A : memref<!tpu.dma_semaphore, #tpu.memory_space<semaphore_mem>>) src(%arg11 : memref<512xf32, #tpu.memory_space<vmem>>) dst(%dma_wait3A_96 : memref<512xf32, #tpu.memory_space<hbm>>)
      tpu.yield
    }) : () -> ()
    return
  }
}

</mosaic_0001>

<sc_bundles>
// kernel: kernel.3.cloned.1.call-start
scs
__scs_entry_jumppad:
0x0: {  	(pc) =	sbr.rel $0x88, $3  }
0x1: {  	(tag) =	ssettag $0x0;
	lr =	simm.s32 $0x1  }
0x2: {  	[smem:$0x3F9D] =	sst lr;
	_ =	strace $0xD0000000  }
0x3: {  	_ = 	snop  }
0x4: {  	_ = 	snop  }
0x5: {  	_ = 	snop  }
0x6: {  	_ = 	snop  }
0x7: {  	_ = 	snop  }
__scs_overlays_trampoline_lowered:
0x8: {  	[smem:$0x3FAC] =	sst s0  }
0x9: {  	[smem:$0x3FAD] =	sst s1  }
0xa: {  	[smem:$0x3FAE] =	sst s2  }
0xb: {  	[smem:$0x3FAF] =	sst s3  }
0xc: {  	[smem:$0x3FB0] =	sst s4  }
0xd: {  	[smem:$0x3FB1] =	sst s5  }
0xe: {  	[smem:$0x3FB2] =	sst s6  }
0xf: {  	[smem:$0x3FB3] =	sst s7  }
0x10: {  	[smem:$0x3FB4] =	sst s8  }
0x11: {  	[smem:$0x3FB5] =	sst s9;
	s0 =	simm.s32 @!p0 $0x0  }
0x12: {  	s1 =	sld [smem:$0x3F9B];
	s0 =	simm.s32 @p0 $0x1  }
0x13: {  	[smem:$0x3FB6] =	sst s0;
	s0 =	simm.s32 @!p1 $0x0  }
0x14: {  	s2 =	sld [smem:$0x3F9A];
	s0 =	simm.s32 @p1 $0x1  }
0x15: {  	[smem:$0x3FB7] =	sst s0;
	s0 =	simm.s32 @!p2 $0x0  }
0x16: {  	s3 =	sld [smem:$0x3FDB];
	s0 =	simm.s32 @p2 $0x1  }
0x17: {  	s4 =	simm.s32 $0x1BF5;
	[smem:$0x3FB9] =	sst s0  }
0x18: {  	s0 =	sld [smem:$0x3F9C];
	_ =	swait.ge [sflag:s4], $0x0  }
0x19: {  	s7 =	sld [smem:$0x3F9D]  }
0x1a: {  	s8 =	sadd.s32 $0xFFFFE003, lr  }
0x1b: {  	s9 =	sadd.s32 $0xFFFFFEF7, lr;
	s5 =	simm.s32 $0xFFFFFFFF;
	p2 =	slt.u32 s8, $0xFFFFF086  }
0x1c: {  	p1 =	slt.u32 s9, $0xF7A;
	s5 =	simm.s32 @!p2 $0x0  }
0x1d: {  	s5 =	simm.s32 @p1 $0x1;
	p0 =	seq.s32 s7, s2  }
0x1e: {  	s7 =	smul.u32 @!p0 $0xF7A, s2;
	p2 =	seq.s32 @!p0 s5, $0x0  }
0x1f: {  	s9 =	smul.u32 $0xF7A, s1;
	s8 =	simm.s32 @!p0 $0x1BF5;
	p2 =	por !p2, p0  }
0x20: {  	[sflag:s8] =	ssyncset.s32 @!p0 $0xFFFFF086;
	s6 =	sadd.s32 @!p0 s3, s7;
	s7 =	simm.s32 @!p0 $0x108  }
0x21: {  	s3 =	sadd.s32 s3, s9;
	s6 =	sadd.s32 @!p0 $0x88, s6;
	s7 =	simm.s32 @p2 $0x1082  }
0x22: {  	[simem:s7], [sflag:s8] =	dma.local @!p0 [hbm:s6], $0xF7A  }
0x23: {  	s9 =	sor.u32 $0xD0000000, s2;
	s6 =	simm.s32 $0x108;
	_ =	swait.ge @!p0 [sflag:s8], $0x0  }
0x24: {  	s3 =	sadd.s32 $0x88, s3;
	s6 =	simm.s32 @!p1 $0x1082;
	[sflag:s4] =	ssyncset.s32 $0xFFFFF086  }
0x25: {  	[simem:s6], [sflag:s4] =	dma.local [hbm:s3], $0xF7A  }
0x26: {  	[smem:$0x3F9D] =	sst s1;
	(tag) =	ssettag s2;
	_ =	strace s9  }
0x27: {  	s1 =	sld [smem:$0x3FAD]  }
0x28: {  	s2 =	sld [smem:$0x3FAE]  }
0x29: {  	s4 =	sld [smem:$0x3FB0]  }
0x2a: {  	p0 =	seq.s32 s5, $0x0;
	s5 =	sld [smem:$0x3FB1]  }
0x2b: {  	s6 =	sld [smem:$0x3FB2]  }
0x2c: {  	s7 =	sld [smem:$0x3FB3]  }
0x2d: {  	s3 =	simm.s32 $0x108;
	s8 =	sld [smem:$0x3FB4]  }
0x2e: {  	s3 =	simm.s32 @!p0 $0x1082;
	s9 =	sld [smem:$0x3FB5]  }
0x2f: {  	lr =	sadd.s32 s0, s3;
	s0 =	sld [smem:$0x3FAC]  }
0x30: {  	s3 =	sld [smem:$0x3FAF]  }
0x31: {  	[smem:$0x3FB8] =	sst s10  }
0x32: {  	s10 =	sld [smem:$0x3FB6];
	_ =	sdelay $0x3  }
0x33: {  	p0 =	seq.s32 s10, $0x1;
	s10 =	sld [smem:$0x3FB8];
	_ =	sdelay $0x3  }
0x34: {  	[smem:$0x3FB8] =	sst s10  }
0x35: {  	s10 =	sld [smem:$0x3FB7];
	_ =	sdelay $0x3  }
0x36: {  	p1 =	seq.s32 s10, $0x1;
	s10 =	sld [smem:$0x3FB8];
	_ =	sdelay $0x3  }
0x37: {  	[smem:$0x3FB8] =	sst s10  }
0x38: {  	s10 =	sld [smem:$0x3FB9]  }
0x39: {  	_ = 	snop;
	(pc) =	sbr.ind lr, $3  }
0x3a: {  	_ = 	snop  }
0x3b: {  	_ = 	snop  }
0x3c: {  	p2 =	seq.s32 s10, $0x1;
	s10 =	sld [smem:$0x3FB8]  }
0x3d: {  	_ =	shalt  }
0x3e: {  	_ =	shalt  }
0x3f: {  	_ =	shalt  }
0x40: {  	_ =	shalt  }
0x41: {  	_ =	shalt  }
0x42: {  	_ =	shalt  }
0x43: {  	_ =	shalt  }
0x44: {  	_ =	shalt  }
0x45: {  	_ =	shalt  }
0x46: {  	_ =	shalt  }
0x47: {  	_ =	shalt  }
0x48: {  	_ =	shalt  }
0x49: {  	_ =	shalt  }
0x4a: {  	_ =	shalt  }
0x4b: {  	_ =	shalt  }
0x4c: {  	_ =	shalt  }
0x4d: {  	_ =	shalt  }
0x4e: {  	_ =	shalt  }
0x4f: {  	_ =	shalt  }
0x50: {  	_ =	shalt  }
0x51: {  	_ =	shalt  }
0x52: {  	_ =	shalt  }
0x53: {  	_ =	shalt  }
0x54: {  	_ =	shalt  }
0x55: {  	_ =	shalt  }
0x56: {  	_ =	shalt  }
0x57: {  	_ =	shalt  }
0x58: {  	_ =	shalt  }
0x59: {  	_ =	shalt  }
0x5a: {  	_ =	shalt  }
0x5b: {  	_ =	shalt  }
0x5c: {  	_ =	shalt  }
0x5d: {  	_ =	shalt  }
0x5e: {  	_ =	shalt  }
0x5f: {  	_ =	shalt  }
0x60: {  	_ =	shalt  }
0x61: {  	_ =	shalt  }
0x62: {  	_ =	shalt  }
0x63: {  	_ =	shalt  }
0x64: {  	_ =	shalt  }
0x65: {  	_ =	shalt  }
0x66: {  	_ =	shalt  }
0x67: {  	_ =	shalt  }
0x68: {  	_ =	shalt  }
0x69: {  	_ =	shalt  }
0x6a: {  	_ =	shalt  }
0x6b: {  	_ =	shalt  }
0x6c: {  	_ =	shalt  }
0x6d: {  	_ =	shalt  }
0x6e: {  	_ =	shalt  }
0x6f: {  	_ =	shalt  }
0x70: {  	_ =	shalt  }
0x71: {  	_ =	shalt  }
0x72: {  	_ =	shalt  }
0x73: {  	_ =	shalt  }
0x74: {  	_ =	shalt  }
0x75: {  	_ =	shalt  }
0x76: {  	_ =	shalt  }
0x77: {  	_ =	shalt  }
0x78: {  	_ =	shalt  }
0x79: {  	_ =	shalt  }
0x7a: {  	_ =	shalt  }
0x7b: {  	_ =	shalt  }
0x7c: {  	_ =	shalt  }
0x7d: {  	_ =	shalt  }
0x7e: {  	_ =	shalt  }
0x7f: {  	_ =	shalt  }
0x80: {  	_ =	shalt  }
0x81: {  	_ =	shalt  }
0x82: {  	_ =	shalt  }
0x83: {  	_ =	shalt  }
0x84: {  	_ =	shalt  }
0x85: {  	_ =	shalt  }
0x86: {  	_ =	shalt  }
0x87: {  	_ =	shalt  }
.Lfunc_end0:
.L_simem_size_0:
called_computation_lowered:
.L_overlay_start_0:
0x88: {  	s2 =	sld [smem:$0x3FD9]  }
0x89: {  	s3 =	sld [smem:$0x3FFE];
	_ =	sdelay $0x1  }
0x8a: {  	s1 =	srdreg.scid  }
0x8b: {  	s0 =	sand.u32 $0x1, s1  }
0x8c: {  	s17 =	sshll.u32 s0, $0xA;
	s2 =	sadd.s32 s3, s2  }
0x8d: {  	s2 =	sadd.s32 s2, s17  }
0x8e: {  	[smem:$0x3FC4] =	sst s2  }
0x8f: {  	_ = 	snop  }
0x90: {  	s2 =	sld [smem:$0x3FC9]  }
0x91: {  	s18 =	sld [smem:$0x3FD0];
	(tm) =	ssettm $0x1  }
0x92: {  	s4 =	sld [smem:$0x3FFB];
	_ =	sdelay $0x3  }
0x93: {  	_ =	strace s4  }
0x94: {  	s4 =	sld [smem:$0x3FFC];
	_ =	sdelay $0x3  }
0x95: {  	_ =	strace s4  }
0x96: {  	s4 =	sld [smem:$0x3FFD];
	_ =	sdelay $0x3  }
0x97: {  	_ =	strace s4  }
0x98: {  	_ =	strace $0x8FFFFFFF  }
0x99: {  	s19 =	sld [smem:$0x3FDB];
	_ =	sdelay $0x1  }
0x9a: {  	s5 =	simm.s32 $_scs_section_size  }
0x9b: {  	s6 =	simm.s32 $_size__tile_overlayer_lowered;
	s7 =	simm.s32 $_tile_overlayer_lowered  }
0x9c: {  	s22 =	simm.s32 $0x1BFF;
	s21 =	sshll.u32 s7, $0x1;
	s4 =	sadd.s32 s5, s19  }
0x9d: {  	s8 =	simm.s32 $0x0;
	s20 =	sshll.u32 s6, $0x1;
	s6 =	sadd.s32 s21, s4  }
0x9e: {  	[timem:s8], [sflag:s22] =	dma.local [hbm:s6], s20  }
0x9f: {  	_ =	swait.ge [sflag:s22], s20  }
0xa0: {  	s5 =	ssub.s32 $0x0, s20;
	[sflag:s22] =	ssyncset.done $0x0  }
0xa1: {  	[sflag:s22] =	ssyncadd.s32 s5;
	_ =	sdelay $0x1  }
0xa2: {  	s23 =	simm.s32 $0x1B8B  }
0xa3: {  	_ =	swait.ge [sflag:s23], $0x1  }
0xa4: {  	[sflag:s23] =	ssyncset.done $0x0  }
0xa5: {  	s25 =	simm.s32 $0x1B8E;
	s24 =	sld [smem:$0x3FFE];
	[sflag:s23] =	ssyncadd.s32 $0xFFFFFFFF  }
0xa6: {  	s26 =	simm.s32 $execute0_lowered;
	[smem:$0x3FD2] =	sst s25  }
0xa7: {  	s6 =	sshll.u32 s26, $0x1;
	_ =	strace $0x80000046;
	[dreg:$0x1] =	wrdreg $0xFFFFFFFF  }
0xa8: {  	s28 =	simm.s32 $_size_execute0_lowered;
	s4 =	sadd.s32 s4, s6;
	[dreg:$0x0] =	wrdreg $0x0  }
0xa9: {  	s6 =	sshll.u32 s28, $0x1;
	[dreg:$0x2] =	wrdreg s4  }
0xaa: {  	[dreg:$0x3] =	wrdreg s6  }
0xab: {  	[dreg:$0x4] =	wrdreg $0xC0  }
0xac: {  	_ =	task [dreg:s8], $0x5FFFF  }
0xad: {  	[dreg:$0x1] =	wrdreg $0xFFFFFFFF  }
0xae: {  	[dreg:$0x0] =	wrdreg $0x60  }
0xaf: {  	[dreg:$0x2] =	wrdreg s2  }
0xb0: {  	[dreg:$0x3] =	wrdreg s24  }
0xb1: {  	[dreg:$0x4] =	wrdreg s18  }
0xb2: {  	[dreg:$0x5] =	wrdreg $0x9  }
0xb3: {  	_ =	task.clear_ibuf [dreg:s8], $0x6FFFF;
	_ =	strace $0x90000046  }
0xb4: {  	s29 =	simm.s32 $0x9;
	_ =	strace $0x80000048  }
0xb5: {  	_ =	swait.ge [sflag:s29], $0x1  }
0xb6: {  	[sflag:s29] =	ssyncadd.s32 $0xFFFFFFFF  }
0xb7: {  	_ =	strace $0x90000048  }
0xb8: {  	_ =	sfence  }
0xb9: {  	s30 =	sld [smem:$0x0];
	_ =	sdelay $0x2  }
0xba: {  	s31 =	sshll.u32 s1, $0xD;
	s1 =	sshrl.u32 s1, $0x2  }
0xbb: {  	s3 =	sand.u32 $0x4000, s31;
	s1 =	sadd.s32 s1, s30  }
0xbc: {  	s0 =	sor.u32 s3, s0;
	s1 =	sshll.u32 s1, $0x11  }
0xbd: {  	s0 =	sor.u32 s1, s0  }
0xbe: {  	s0 =	sadd.s32 $0x8F2B, s0  }
0xbf: {  	[sflag:s0] =	ssyncadd.remote.s32 $0x1  }
0xc0: {  	_ =	sfence.sel $0xFFFF  }
0xc1: {  	[dreg:$0x0] =	wrdreg $0xFFFFFFFF;
	(pc) =	sbr.abs _section_cstart, $3  }
0xc2: {  	[dreg:$0x1] =	wrdreg $0xFFFFFFFF  }
0xc3: {  	_ =	task.clear_ibuf [dreg:s8], $0x2FFFF;
	_ =	strace $0x9FFFFFFF  }
0xc4: {  	(tm) =	ssettm $0x7FFFFFFF  }
0xc5: {  	_ =	shalt  }
tec
execute0_lowered:
.L_overlay_start_1:
0x0: {  	(tag) =	ssettag $0x1  }
0x1: {  	s5 =	rddreg [dreg:$0x0]  }
0x2: {  	s4 =	rddreg [dreg:$0x1]  }
0x3: {  	s9 =	rddreg [dreg:$0x2]  }
0x4: {  	s0 =	rddreg [dreg:$0x3];
	s2 =	simm.s32 $0x0;
	s3 =	srdreg.scid  }
0x5: {  	s1 =	stileid.u32;
	s12 =	simm.s32 $0x20000;
	s13 =	simm.s32 $0xE580  }
0x6: {  	s14 =	simm.s32 $0x3;
	s15 =	simm.s32 $0xC800;
	s16 =	simm.s32 $0x1  }
0x7: {  	s17 =	simm.s32 $0x6400;
	s18 =	simm.s32 $0xDF80;
	s19 =	simm.s32 $0x2  }
0x8: {  	s20 =	simm.s32 $0xE600;
	s21 =	simm.s32 $0x0;
	[smem:$0x7FF] =	sst s2  }
0x9: {  	s6 =	sand.u32 $0x1, s3;
	s7 =	sshll.u32 s1, $0xA;
	s3 =	sadd.s32 $0x600, s4  }
0xa: {  	s4 =	sadd.s32 $0xA00, s4;
	s8 =	sshll.u32 s6, $0x9;
	s6 =	ssub.s32 $0x2, s6  }
0xb: {  	_ =	strace $0x80000047;
	s7 =	sor.u32 s8, s7;
	s31 =	sshrl.u32 s6, $0x1  }
0xc: {  	v0 =	vimm.s32 $0x1;
	s5 =	sadd.s32 s5, s7;
	s10 =	ssub.s32 s6, s31;
	s11 =	sshrl.u32 s7, $0x3  }
0xd: {  	v1 =	vimm.s32 $0x2;
	v2 =	vimm.s32 $0x3;
	v5 =	vlaneseq.u32;
	s6 =	sadd.s32 $0x80, s5;
	s7 =	sadd.s32 $0x100, s5;
	s8 =	sadd.s32 $0x180, s5  }
0xe: {  	v3 =	vimm.s32 $0x4;
	v4 =	vimm.s32 $0x5;
	v5 =	vmul.u32 $0x4, v5;
	s9 =	sadd.s32 s9, s11;
	s10 =	smax.u32 s10, $0x1;
	s11 =	simm.s32 $0x400  }
.LBB2_1:
0xf: {  	[tilespmem:s2], [sflag:$0x1] =	stream.strided.gather [hbm4b:s5+s11], $0x6400, s12, s11, $0x38;
	[tilespmem:$0xE800] =	vst v63  }
0x10: {  	_ = 	snop  }
0x11: {  	[tilespmem:s13], [sflag:$0x3] =	stream.linear.gather [hbm4b:s4+s2], $0x80, $0x38;
	[tilespmem:$0xE800] =	vst v63  }
0x12: {  	_ =	swait.ge [sflag:s14], $0x80  }
0x13: {  	[sflag:s14] =	ssyncset.done $0x0  }
0x14: {  	v6 =	vmov s2;
	[sflag:s14] =	ssyncadd.s32 $0xFFFFFF80  }
0x15: {  	v6 =	vshll.u32 v6, $0x2;
	[tilespmem:s15], [sflag:$0x3] =	stream.linear.gather [hbm4b:s3+s2], $0x1770, $0x38;
	[tilespmem:$0xE800] =	vst v63  }
0x16: {  	v8 =	vor.u32 v5, v6;
	_ =	swait.ge [sflag:s14], $0x1770  }
0x17: {  	v9 =	vor.u32 $0x1, v8;
	[sflag:s14] =	ssyncset.done $0x0  }
0x18: {  	[sflag:s14] =	ssyncadd.s32 $0xFFFFE890  }
0x19: {  	v10 =	vor.u32 $0x2, v8;
	v6 =	vld.idx.msk [tilespmem:v0+s13+$0x0], $0xffff  }
0x1a: {  	v7 =	vld.idx.msk [tilespmem:v1+s13+$0x0], $0xffff  }
0x1b: {  	v12 =	vor.u32 $0x3, v8;
	v11 =	vld.idx.msk [tilespmem:v8+s15+$0x0], $0xffff  }
0x1c: {  	v13 =	vld.idx.msk [tilespmem:v9+s15+$0x0], $0xffff  }
0x1d: {  	v8 =	vld.idx.msk [tilespmem:v2+s13+$0x0], $0xffff  }
0x1e: {  	v10 =	vld.idx.msk [tilespmem:v10+s15+$0x0], $0xffff  }
0x1f: {  	v9 =	vld.idx.msk [tilespmem:v3+s13+$0x0], $0xffff  }
0x20: {  	v12 =	vld.idx.msk [tilespmem:v12+s15+$0x0], $0xffff  }
0x21: {  	v11 =	vmul.f32 v11, v6;
	v13 =	vmul.f32 v13, v7;
	_ =	sdelay $0x1  }
0x22: {  	v11 =	vadd.f32 v13, v11;
	v13 =	vmul.f32 v10, v8  }
0x23: {  	v10 =	vld.idx.msk [tilespmem:v4+s13+$0x0], $0xffff  }
0x24: {  	s22 =	simm.s32 $0x10;
	v12 =	vmul.f32 v12, v9;
	v11 =	vadd.f32 v13, v11  }
0x25: {  	v13 =	vmov s22  }
0x26: {  	v13 =	vshll.u32 v13, $0x2;
	v11 =	vadd.f32 v12, v11  }
0x27: {  	v12 =	vor.u32 v5, v13  }
0x28: {  	v13 =	vor.u32 $0x1, v12;
	v11 =	vadd.f32 v11, v10;
	_ =	sdelay $0x1  }
0x29: {  	v14 =	vor.u32 $0x2, v12;
	v11 =	vmax.f32 v11, $0.0e+00  }
0x2a: {  	[tilespmem:s18+$0x0] =	vst v11  }
0x2b: {  	v11 =	vld.idx.msk [tilespmem:v12+s15+$0x0], $0xffff;
	v12 =	vor.u32 $0x3, v12  }
0x2c: {  	v13 =	vld.idx.msk [tilespmem:v13+s15+$0x0], $0xffff;
	_ =	sdelay $0x1  }
0x2d: {  	v14 =	vld.idx.msk [tilespmem:v14+s15+$0x0], $0xffff;
	_ =	sdelay $0x1  }
0x2e: {  	v12 =	vld.idx.msk [tilespmem:v12+s15+$0x0], $0xffff  }
0x2f: {  	v11 =	vmul.f32 v11, v6;
	v13 =	vmul.f32 v13, v7;
	_ =	sdelay $0x1  }
0x30: {  	v11 =	vadd.f32 v13, v11;
	v13 =	vmul.f32 v14, v8;
	_ =	sdelay $0x1  }
0x31: {  	s31 =	simm.s32 $0x20;
	v11 =	vadd.f32 v13, v11;
	v12 =	vmul.f32 v12, v9  }
0x32: {  	s23 =	simm.s32 $0x30;
	s22 =	simm.s32 $0xDF80;
	v13 =	vmov s31  }
.LBB2_2:
0x33: {  	p0 =	sne.s32 s23, $0x5D0;
	v13 =	vshll.u32 v13, $0x2;
	v11 =	vadd.f32 v12, v11  }
0x34: {  	v12 =	vor.u32 v5, v13  }
0x35: {  	v13 =	vor.u32 $0x1, v12;
	v11 =	vadd.f32 v11, v10;
	_ =	sdelay $0x1  }
0x36: {  	s22 =	sadd.s32 $0x10, s22;
	v14 =	vor.u32 $0x2, v12;
	v11 =	vmax.f32 v11, $0.0e+00  }
0x37: {  	[tilespmem:s22+$0x0] =	vst v11  }
0x38: {  	v11 =	vld.idx.msk [tilespmem:v12+s15+$0x0], $0xffff;
	v12 =	vor.u32 $0x3, v12  }
0x39: {  	v13 =	vld.idx.msk [tilespmem:v13+s15+$0x0], $0xffff;
	_ =	sdelay $0x1  }
0x3a: {  	v14 =	vld.idx.msk [tilespmem:v14+s15+$0x0], $0xffff;
	_ =	sdelay $0x1  }
0x3b: {  	v12 =	vld.idx.msk [tilespmem:v12+s15+$0x0], $0xffff;
	_ =	sdelay $0x1  }
0x3c: {  	v11 =	vmul.f32 v11, v6;
	v13 =	vmul.f32 v13, v7  }
.Ltmp0:
0x3d: {  	(pc) =	sbr.rel @p0 .LBB2_2-.Ltmp0, $3  }
0x3e: {  	v11 =	vadd.f32 v13, v11;
	v13 =	vmul.f32 v14, v8;
	_ =	sdelay $0x1  }
0x3f: {  	v11 =	vadd.f32 v13, v11;
	v12 =	vmul.f32 v12, v9  }
0x40: {  	v13 =	vmov s23;
	s23 =	sadd.s32 $0x10, s23  }
0x41: {  	v13 =	vshll.u32 v13, $0x2;
	v11 =	vadd.f32 v12, v11  }
0x42: {  	v63 =	vor.u32 v5, v13  }
0x43: {  	v13 =	vor.u32 $0x1, v63;
	v11 =	vadd.f32 v11, v10;
	_ =	sdelay $0x1  }
0x44: {  	s22 =	sadd.s32 $0x10, s22;
	v14 =	vor.u32 $0x2, v63;
	v11 =	vmax.f32 v11, $0.0e+00  }
0x45: {  	[tilespmem:s22+$0x0] =	vst v11  }
0x46: {  	v12 =	vor.u32 $0x3, v63;
	v11 =	vld.idx.msk [tilespmem:v63+s15+$0x0], $0xffff  }
0x47: {  	v13 =	vld.idx.msk [tilespmem:v13+s15+$0x0], $0xffff;
	_ =	sdelay $0x1  }
0x48: {  	v14 =	vld.idx.msk [tilespmem:v14+s15+$0x0], $0xffff;
	_ =	sdelay $0x1  }
0x49: {  	v12 =	vld.idx.msk [tilespmem:v12+s15+$0x0], $0xffff  }
0x4a: {  	v6 =	vmul.f32 v11, v6;
	v7 =	vmul.f32 v13, v7;
	_ =	sdelay $0x1  }
0x4b: {  	v6 =	vadd.f32 v7, v6;
	v7 =	vmul.f32 v14, v8;
	_ =	sdelay $0x1  }
0x4c: {  	v6 =	vadd.f32 v7, v6;
	v7 =	vmul.f32 v12, v9;
	_ =	sdelay $0x1  }
0x4d: {  	v6 =	vadd.f32 v7, v6;
	_ =	sdelay $0x1  }
0x4e: {  	v6 =	vadd.f32 v6, v10;
	_ =	sdelay $0x1  }
0x4f: {  	s22 =	sadd.s32 $0x10, s22;
	v6 =	vmax.f32 v6, $0.0e+00  }
0x50: {  	[tilespmem:s22+$0x0] =	vst v6  }
0x51: {  	_ =	swait.ge [sflag:s16], $0x6400  }
0x52: {  	[sflag:s16] =	ssyncset.done $0x0  }
0x53: {  	s23 =	simm.s32 $0x200;
	s22 =	simm.s32 $0x0;
	[sflag:s16] =	ssyncadd.s32 $0xFFFF9C00  }
0x54: {  	[tilespmem:s17], [sflag:$0x2] =	stream.strided.gather [hbm4b:s6+s11], $0x6400, s12, s11, $0x38;
	[tilespmem:$0xE800] =	vst v63  }
.LBB2_4:
0x55: {  	v6 =	vld [tilespmem:s23+$0x0]  }
0x56: {  	v7 =	vld [tilespmem:s23+$0x80]  }
0x57: {  	v8 =	vld [tilespmem:s23+$0xFFFFFE00]  }
0x58: {  	v9 =	vld [tilespmem:s23+$0xFFFFFE80]  }
0x59: {  	v10 =	vld [tilespmem:s23+$0xFFFFFF00]  }
0x5a: {  	v11 =	vld [tilespmem:s23+$0xFFFFFF80]  }
0x5b: {  	v12 =	vld [tilespmem:s23+$0x100]  }
0x5c: {  	v13 =	vld [tilespmem:s23+$0x180]  }
0x5d: {  	v6 =	vld.idx.msk [tilespmem:v6+s18+$0x0], $0xffff  }
0x5e: {  	v7 =	vld.idx.msk [tilespmem:v7+s18+$0x0], $0xffff  }
0x5f: {  	v14 =	vld.idx.msk [tilespmem:v8+s18+$0x0], $0xffff  }
0x60: {  	v16 =	vld.idx.msk [tilespmem:v9+s18+$0x0], $0xffff  }
0x61: {  	v15 =	vld.idx.msk [tilespmem:v10+s18+$0x0], $0xffff  }
0x62: {  	v17 =	vld.idx.msk [tilespmem:v11+s18+$0x0], $0xffff  }
0x63: {  	v8 =	vimm.f32 $0.0e+00;
	v12 =	vld.idx.msk [tilespmem:v12+s18+$0x0], $0xffff  }
0x64: {  	s24 =	sshll.u32 s22, $0x4;
	s25 =	simm.s32 $0x0;
	s26 =	sadd.s32 $0x400, s23;
	v13 =	vld.idx.msk [tilespmem:v13+s18+$0x0], $0xffff;
	v9 =	vimm.f32 $0.0e+00;
	v10 =	vimm.f32 $0.0e+00;
	v11 =	vimm.f32 $0.0e+00  }
.LBB2_5:
0x65: {  	v18 =	vld [tilespmem:s26+$0x0]  }
0x66: {  	v19 =	vld [tilespmem:s26+$0x80]  }
0x67: {  	v8 =	vadd.f32 v14, v8;
	v9 =	vadd.f32 v16, v9;
	v20 =	vld [tilespmem:s26+$0xFFFFFE00]  }
0x68: {  	v10 =	vadd.f32 v15, v10;
	v11 =	vadd.f32 v17, v11;
	v16 =	vld [tilespmem:s26+$0xFFFFFE80]  }
0x69: {  	v8 =	vadd.f32 v6, v8;
	v9 =	vadd.f32 v7, v9;
	v15 =	vld [tilespmem:s26+$0xFFFFFF00]  }
0x6a: {  	s25 =	sadd.s32 $0x2, s25;
	v10 =	vadd.f32 v12, v10;
	v11 =	vadd.f32 v13, v11;
	v17 =	vld [tilespmem:s26+$0xFFFFFF80]  }
0x6b: {  	p0 =	slt.u32 s25, $0x30;
	v12 =	vld [tilespmem:s26+$0x100]  }
0x6c: {  	v13 =	vld [tilespmem:s26+$0x180]  }
0x6d: {  	v6 =	vld.idx.msk [tilespmem:v18+s18+$0x0], $0xffff  }
0x6e: {  	v7 =	vld.idx.msk [tilespmem:v19+s18+$0x0], $0xffff  }
0x6f: {  	v14 =	vld.idx.msk [tilespmem:v20+s18+$0x0], $0xffff  }
.Ltmp1:
0x70: {  	v16 =	vld.idx.msk [tilespmem:v16+s18+$0x0], $0xffff;
	(pc) =	sbr.rel @p0 .LBB2_5-.Ltmp1, $4  }
0x71: {  	v15 =	vld.idx.msk [tilespmem:v15+s18+$0x0], $0xffff  }
0x72: {  	v17 =	vld.idx.msk [tilespmem:v17+s18+$0x0], $0xffff  }
0x73: {  	v12 =	vld.idx.msk [tilespmem:v12+s18+$0x0], $0xffff  }
0x74: {  	s26 =	sadd.s32 $0x400, s26;
	v13 =	vld.idx.msk [tilespmem:v13+s18+$0x0], $0xffff  }
0x75: {  	_ = 	snop  }
0x76: {  	v8 =	vadd.f32 v14, v8;
	v9 =	vadd.f32 v16, v9  }
0x77: {  	v10 =	vadd.f32 v15, v10;
	v11 =	vadd.f32 v17, v11  }
0x78: {  	v6 =	vadd.f32 v6, v8;
	v7 =	vadd.f32 v7, v9  }
0x79: {  	s22 =	sadd.s32 $0x1, s22;
	v62 =	vadd.f32 v12, v10;
	v63 =	vadd.f32 v13, v11  }
0x7a: {  	p0 =	sne.s32 s22, $0x8  }
.Ltmp2:
0x7b: {  	v6 =	vadd.f32 v7, v6;
	v7 =	vadd.f32 v63, v62;
	(pc) =	sbr.rel @p0 .LBB2_4-.Ltmp2, $3  }
0x7c: {  	_ = 	snop  }
0x7d: {  	v6 =	vadd.f32 v7, v6;
	_ =	sdelay $0x1  }
0x7e: {  	s23 =	sadd.s32 $0x10, s23;
	[tilespmem:s24+$0xE600] =	vst v6  }
0x7f: {  	_ =	swait.ge [sflag:s19], $0x6400  }
0x80: {  	[sflag:s19] =	ssyncset.done $0x0  }
0x81: {  	s22 =	simm.s32 $0x0;
	s23 =	simm.s32 $0x6600;
	[sflag:s19] =	ssyncadd.s32 $0xFFFF9C00  }
0x82: {  	[tilespmem:s22], [sflag:$0x1] =	stream.strided.gather [hbm4b:s7+s11], $0x6400, s12, s11, $0x38;
	[tilespmem:$0xE800] =	vst v63  }
.LBB2_8:
0x83: {  	v6 =	vld [tilespmem:s23+$0x0]  }
0x84: {  	v7 =	vld [tilespmem:s23+$0x80]  }
0x85: {  	v8 =	vld [tilespmem:s23+$0xFFFFFE00]  }
0x86: {  	v9 =	vld [tilespmem:s23+$0xFFFFFE80]  }
0x87: {  	v10 =	vld [tilespmem:s23+$0xFFFFFF00]  }
0x88: {  	v11 =	vld [tilespmem:s23+$0xFFFFFF80]  }
0x89: {  	v12 =	vld [tilespmem:s23+$0x100]  }
0x8a: {  	v13 =	vld [tilespmem:s23+$0x180]  }
0x8b: {  	v6 =	vld.idx.msk [tilespmem:v6+s18+$0x0], $0xffff  }
0x8c: {  	v7 =	vld.idx.msk [tilespmem:v7+s18+$0x0], $0xffff  }
0x8d: {  	v14 =	vld.idx.msk [tilespmem:v8+s18+$0x0], $0xffff  }
0x8e: {  	v16 =	vld.idx.msk [tilespmem:v9+s18+$0x0], $0xffff  }
0x8f: {  	v15 =	vld.idx.msk [tilespmem:v10+s18+$0x0], $0xffff  }
0x90: {  	v17 =	vld.idx.msk [tilespmem:v11+s18+$0x0], $0xffff  }
0x91: {  	v8 =	vimm.f32 $0.0e+00;
	v12 =	vld.idx.msk [tilespmem:v12+s18+$0x0], $0xffff  }
0x92: {  	s24 =	sshll.u32 s22, $0x4;
	s25 =	simm.s32 $0x0;
	s26 =	sadd.s32 $0x400, s23;
	v13 =	vld.idx.msk [tilespmem:v13+s18+$0x0], $0xffff;
	v9 =	vimm.f32 $0.0e+00;
	v10 =	vimm.f32 $0.0e+00;
	v11 =	vimm.f32 $0.0e+00  }
.LBB2_9:
0x93: {  	v18 =	vld [tilespmem:s26+$0x0]  }
0x94: {  	v19 =	vld [tilespmem:s26+$0x80]  }
0x95: {  	v8 =	vadd.f32 v14, v8;
	v9 =	vadd.f32 v16, v9;
	v20 =	vld [tilespmem:s26+$0xFFFFFE00]  }
0x96: {  	v10 =	vadd.f32 v15, v10;
	v11 =	vadd.f32 v17, v11;
	v16 =	vld [tilespmem:s26+$0xFFFFFE80]  }
0x97: {  	v8 =	vadd.f32 v6, v8;
	v9 =	vadd.f32 v7, v9;
	v15 =	vld [tilespmem:s26+$0xFFFFFF00]  }
0x98: {  	s25 =	sadd.s32 $0x2, s25;
	v10 =	vadd.f32 v12, v10;
	v11 =	vadd.f32 v13, v11;
	v17 =	vld [tilespmem:s26+$0xFFFFFF80]  }
0x99: {  	p0 =	slt.u32 s25, $0x30;
	v12 =	vld [tilespmem:s26+$0x100]  }
0x9a: {  	v13 =	vld [tilespmem:s26+$0x180]  }
0x9b: {  	v6 =	vld.idx.msk [tilespmem:v18+s18+$0x0], $0xffff  }
0x9c: {  	v7 =	vld.idx.msk [tilespmem:v19+s18+$0x0], $0xffff  }
0x9d: {  	v14 =	vld.idx.msk [tilespmem:v20+s18+$0x0], $0xffff  }
.Ltmp3:
0x9e: {  	v16 =	vld.idx.msk [tilespmem:v16+s18+$0x0], $0xffff;
	(pc) =	sbr.rel @p0 .LBB2_9-.Ltmp3, $4  }
0x9f: {  	v15 =	vld.idx.msk [tilespmem:v15+s18+$0x0], $0xffff  }
0xa0: {  	v17 =	vld.idx.msk [tilespmem:v17+s18+$0x0], $0xffff  }
0xa1: {  	v12 =	vld.idx.msk [tilespmem:v12+s18+$0x0], $0xffff  }
0xa2: {  	s26 =	sadd.s32 $0x400, s26;
	v13 =	vld.idx.msk [tilespmem:v13+s18+$0x0], $0xffff  }
0xa3: {  	_ = 	snop  }
0xa4: {  	v8 =	vadd.f32 v14, v8;
	v9 =	vadd.f32 v16, v9  }
0xa5: {  	v10 =	vadd.f32 v15, v10;
	v11 =	vadd.f32 v17, v11  }
0xa6: {  	v6 =	vadd.f32 v6, v8;
	v7 =	vadd.f32 v7, v9  }
0xa7: {  	s22 =	sadd.s32 $0x1, s22;
	v62 =	vadd.f32 v12, v10;
	v63 =	vadd.f32 v13, v11  }
0xa8: {  	p0 =	sne.s32 s22, $0x8  }
.Ltmp4:
0xa9: {  	v6 =	vadd.f32 v7, v6;
	v7 =	vadd.f32 v63, v62;
	(pc) =	sbr.rel @p0 .LBB2_8-.Ltmp4, $3  }
0xaa: {  	_ = 	snop  }
0xab: {  	v6 =	vadd.f32 v7, v6;
	_ =	sdelay $0x1  }
0xac: {  	s23 =	sadd.s32 $0x10, s23;
	[tilespmem:s24+$0xE680] =	vst v6  }
0xad: {  	_ =	swait.ge [sflag:s16], $0x6400  }
0xae: {  	[sflag:s16] =	ssyncset.done $0x0  }
0xaf: {  	s22 =	simm.s32 $0x0;
	s23 =	simm.s32 $0x200;
	[sflag:s16] =	ssyncadd.s32 $0xFFFF9C00  }
0xb0: {  	[tilespmem:s17], [sflag:$0x2] =	stream.strided.gather [hbm4b:s8+s11], $0x6400, s12, s11, $0x38;
	[tilespmem:$0xE800] =	vst v63  }
.LBB2_12:
0xb1: {  	v6 =	vld [tilespmem:s23+$0x0]  }
0xb2: {  	v7 =	vld [tilespmem:s23+$0x80]  }
0xb3: {  	v8 =	vld [tilespmem:s23+$0xFFFFFE00]  }
0xb4: {  	v9 =	vld [tilespmem:s23+$0xFFFFFE80]  }
0xb5: {  	v10 =	vld [tilespmem:s23+$0xFFFFFF00]  }
0xb6: {  	v11 =	vld [tilespmem:s23+$0xFFFFFF80]  }
0xb7: {  	v12 =	vld [tilespmem:s23+$0x100]  }
0xb8: {  	v13 =	vld [tilespmem:s23+$0x180]  }
0xb9: {  	v6 =	vld.idx.msk [tilespmem:v6+s18+$0x0], $0xffff  }
0xba: {  	v7 =	vld.idx.msk [tilespmem:v7+s18+$0x0], $0xffff  }
0xbb: {  	v14 =	vld.idx.msk [tilespmem:v8+s18+$0x0], $0xffff  }
0xbc: {  	v16 =	vld.idx.msk [tilespmem:v9+s18+$0x0], $0xffff  }
0xbd: {  	v15 =	vld.idx.msk [tilespmem:v10+s18+$0x0], $0xffff  }
0xbe: {  	v17 =	vld.idx.msk [tilespmem:v11+s18+$0x0], $0xffff  }
0xbf: {  	v8 =	vimm.f32 $0.0e+00;
	v12 =	vld.idx.msk [tilespmem:v12+s18+$0x0], $0xffff  }
0xc0: {  	s24 =	sshll.u32 s22, $0x4;
	s25 =	simm.s32 $0x0;
	s26 =	sadd.s32 $0x400, s23;
	v13 =	vld.idx.msk [tilespmem:v13+s18+$0x0], $0xffff;
	v9 =	vimm.f32 $0.0e+00;
	v10 =	vimm.f32 $0.0e+00;
	v11 =	vimm.f32 $0.0e+00  }
.LBB2_13:
0xc1: {  	v18 =	vld [tilespmem:s26+$0x0]  }
0xc2: {  	v19 =	vld [tilespmem:s26+$0x80]  }
0xc3: {  	v8 =	vadd.f32 v14, v8;
	v9 =	vadd.f32 v16, v9;
	v20 =	vld [tilespmem:s26+$0xFFFFFE00]  }
0xc4: {  	v10 =	vadd.f32 v15, v10;
	v11 =	vadd.f32 v17, v11;
	v16 =	vld [tilespmem:s26+$0xFFFFFE80]  }
0xc5: {  	v8 =	vadd.f32 v6, v8;
	v9 =	vadd.f32 v7, v9;
	v15 =	vld [tilespmem:s26+$0xFFFFFF00]  }
0xc6: {  	s25 =	sadd.s32 $0x2, s25;
	v10 =	vadd.f32 v12, v10;
	v11 =	vadd.f32 v13, v11;
	v17 =	vld [tilespmem:s26+$0xFFFFFF80]  }
0xc7: {  	p0 =	slt.u32 s25, $0x30;
	v12 =	vld [tilespmem:s26+$0x100]  }
0xc8: {  	v13 =	vld [tilespmem:s26+$0x180]  }
0xc9: {  	v6 =	vld.idx.msk [tilespmem:v18+s18+$0x0], $0xffff  }
0xca: {  	v7 =	vld.idx.msk [tilespmem:v19+s18+$0x0], $0xffff  }
0xcb: {  	v14 =	vld.idx.msk [tilespmem:v20+s18+$0x0], $0xffff  }
.Ltmp5:
0xcc: {  	v16 =	vld.idx.msk [tilespmem:v16+s18+$0x0], $0xffff;
	(pc) =	sbr.rel @p0 .LBB2_13-.Ltmp5, $4  }
0xcd: {  	v15 =	vld.idx.msk [tilespmem:v15+s18+$0x0], $0xffff  }
0xce: {  	v17 =	vld.idx.msk [tilespmem:v17+s18+$0x0], $0xffff  }
0xcf: {  	v12 =	vld.idx.msk [tilespmem:v12+s18+$0x0], $0xffff  }
0xd0: {  	s26 =	sadd.s32 $0x400, s26;
	v13 =	vld.idx.msk [tilespmem:v13+s18+$0x0], $0xffff  }
0xd1: {  	_ = 	snop  }
0xd2: {  	v8 =	vadd.f32 v14, v8;
	v9 =	vadd.f32 v16, v9  }
0xd3: {  	v10 =	vadd.f32 v15, v10;
	v11 =	vadd.f32 v17, v11  }
0xd4: {  	v6 =	vadd.f32 v6, v8;
	v7 =	vadd.f32 v7, v9  }
0xd5: {  	s22 =	sadd.s32 $0x1, s22;
	v62 =	vadd.f32 v12, v10;
	v63 =	vadd.f32 v13, v11  }
0xd6: {  	p0 =	sne.s32 s22, $0x8  }
.Ltmp6:
0xd7: {  	v6 =	vadd.f32 v7, v6;
	v7 =	vadd.f32 v63, v62;
	(pc) =	sbr.rel @p0 .LBB2_12-.Ltmp6, $3  }
0xd8: {  	_ = 	snop  }
0xd9: {  	v6 =	vadd.f32 v7, v6;
	_ =	sdelay $0x1  }
0xda: {  	s23 =	sadd.s32 $0x10, s23;
	[tilespmem:s24+$0xE700] =	vst v6  }
0xdb: {  	_ =	swait.ge [sflag:s19], $0x6400  }
0xdc: {  	[sflag:s19] =	ssyncset.done $0x0  }
0xdd: {  	s22 =	simm.s32 $0x0;
	s23 =	simm.s32 $0x6600;
	[sflag:s19] =	ssyncadd.s32 $0xFFFF9C00  }
.LBB2_16:
0xde: {  	v6 =	vld [tilespmem:s23+$0x0]  }
0xdf: {  	v7 =	vld [tilespmem:s23+$0x80]  }
0xe0: {  	v8 =	vld [tilespmem:s23+$0xFFFFFE00]  }
0xe1: {  	v9 =	vld [tilespmem:s23+$0xFFFFFE80]  }
0xe2: {  	v10 =	vld [tilespmem:s23+$0xFFFFFF00]  }
0xe3: {  	v11 =	vld [tilespmem:s23+$0xFFFFFF80]  }
0xe4: {  	v12 =	vld [tilespmem:s23+$0x100]  }
0xe5: {  	v13 =	vld [tilespmem:s23+$0x180]  }
0xe6: {  	v6 =	vld.idx.msk [tilespmem:v6+s18+$0x0], $0xffff  }
0xe7: {  	v7 =	vld.idx.msk [tilespmem:v7+s18+$0x0], $0xffff  }
0xe8: {  	v14 =	vld.idx.msk [tilespmem:v8+s18+$0x0], $0xffff  }
0xe9: {  	v16 =	vld.idx.msk [tilespmem:v9+s18+$0x0], $0xffff  }
0xea: {  	v15 =	vld.idx.msk [tilespmem:v10+s18+$0x0], $0xffff  }
0xeb: {  	v17 =	vld.idx.msk [tilespmem:v11+s18+$0x0], $0xffff  }
0xec: {  	v8 =	vimm.f32 $0.0e+00;
	v12 =	vld.idx.msk [tilespmem:v12+s18+$0x0], $0xffff  }
0xed: {  	s24 =	sshll.u32 s22, $0x4;
	s25 =	simm.s32 $0x0;
	s26 =	sadd.s32 $0x400, s23;
	v13 =	vld.idx.msk [tilespmem:v13+s18+$0x0], $0xffff;
	v9 =	vimm.f32 $0.0e+00;
	v10 =	vimm.f32 $0.0e+00;
	v11 =	vimm.f32 $0.0e+00  }
.LBB2_17:
0xee: {  	v18 =	vld [tilespmem:s26+$0x0]  }
0xef: {  	v19 =	vld [tilespmem:s26+$0x80]  }
0xf0: {  	v8 =	vadd.f32 v14, v8;
	v9 =	vadd.f32 v16, v9;
	v20 =	vld [tilespmem:s26+$0xFFFFFE00]  }
0xf1: {  	v10 =	vadd.f32 v15, v10;
	v11 =	vadd.f32 v17, v11;
	v16 =	vld [tilespmem:s26+$0xFFFFFE80]  }
0xf2: {  	v8 =	vadd.f32 v6, v8;
	v9 =	vadd.f32 v7, v9;
	v15 =	vld [tilespmem:s26+$0xFFFFFF00]  }
0xf3: {  	s25 =	sadd.s32 $0x2, s25;
	v10 =	vadd.f32 v12, v10;
	v11 =	vadd.f32 v13, v11;
	v17 =	vld [tilespmem:s26+$0xFFFFFF80]  }
0xf4: {  	p0 =	slt.u32 s25, $0x30;
	v12 =	vld [tilespmem:s26+$0x100]  }
0xf5: {  	v13 =	vld [tilespmem:s26+$0x180]  }
0xf6: {  	v6 =	vld.idx.msk [tilespmem:v18+s18+$0x0], $0xffff  }
0xf7: {  	v7 =	vld.idx.msk [tilespmem:v19+s18+$0x0], $0xffff  }
0xf8: {  	v14 =	vld.idx.msk [tilespmem:v20+s18+$0x0], $0xffff  }
.Ltmp7:
0xf9: {  	v16 =	vld.idx.msk [tilespmem:v16+s18+$0x0], $0xffff;
	(pc) =	sbr.rel @p0 .LBB2_17-.Ltmp7, $4  }
0xfa: {  	v15 =	vld.idx.msk [tilespmem:v15+s18+$0x0], $0xffff  }
0xfb: {  	v17 =	vld.idx.msk [tilespmem:v17+s18+$0x0], $0xffff  }
0xfc: {  	v12 =	vld.idx.msk [tilespmem:v12+s18+$0x0], $0xffff  }
0xfd: {  	s26 =	sadd.s32 $0x400, s26;
	v13 =	vld.idx.msk [tilespmem:v13+s18+$0x0], $0xffff  }
0xfe: {  	_ = 	snop  }
0xff: {  	v8 =	vadd.f32 v14, v8;
	v9 =	vadd.f32 v16, v9  }
0x100: {  	v10 =	vadd.f32 v15, v10;
	v11 =	vadd.f32 v17, v11  }
0x101: {  	v6 =	vadd.f32 v6, v8;
	v7 =	vadd.f32 v7, v9  }
0x102: {  	s22 =	sadd.s32 $0x1, s22;
	v62 =	vadd.f32 v12, v10;
	v63 =	vadd.f32 v13, v11  }
0x103: {  	p0 =	sne.s32 s22, $0x8  }
.Ltmp8:
0x104: {  	v6 =	vadd.f32 v7, v6;
	v7 =	vadd.f32 v63, v62;
	(pc) =	sbr.rel @p0 .LBB2_16-.Ltmp8, $3  }
0x105: {  	_ = 	snop  }
0x106: {  	v6 =	vadd.f32 v7, v6;
	_ =	sdelay $0x1  }
0x107: {  	s23 =	sadd.s32 $0x10, s23;
	[tilespmem:s24+$0xE780] =	vst v6  }
0x108: {  	s21 =	sadd.s32 $0x1, s21  }
0x109: {  	p0 =	sne.s32 s21, s10  }
.Ltmp9:
0x10a: {  	_ = 	snop;
	(pc) =	sbr.rel @p0 .LBB2_1-.Ltmp9, $4  }
0x10b: {  	[hbm4b:s9+s2] =	stream.linear.scatter [tilespmem:s20], [sflag:$0x3], $0x200, $0x38;
	[tilespmem:$0xE800] =	vst v63  }
0x10c: {  	_ =	swait.ge [sflag:s14], $0x200  }
0x10d: {  	[sflag:s14] =	ssyncset.done $0x0  }
0x10e: {  	[sflag:s14] =	ssyncadd.s32 $0xFFFFFE00  }
0x10f: {  	_ =	sfence.sel $0x180000  }
0x110: {  	[bflag:$0x0] =	sbarrier.arrive $0xFFFF  }
0x111: {  	p0 =	sne.s32 s1, $0x0;
	_ =	strace $0x90000047  }
0x112: {  	s0 =	sadd.s32 @!p0 $0x100000, s0;
	[bflag:$0x2] =	sbarrier.arrive $0xFFFF  }
0x113: {  	[sflag:s0] =	ssyncadd.tile.s32 @!p0 $0x1;
	_ =	shalt  }
.Lfunc_end2:
_tile_overlayer_lowered:
.L_overlay_start_2:
0x114: {  	(tag) =	ssettag $0x2  }
0x115: {  	s0 =	rddreg [dreg:$0x0];
	s2 =	stileid.u32  }
0x116: {  	s1 =	rddreg [dreg:$0x1];
	p0 =	sne.s32 s2, $0x0  }
0x117: {  	s3 =	rddreg [dreg:$0x2];
	[bflag:$0x3] =	sbarrier.arrive $0xFFFF;
	s2 =	simm.s32 @!p0 $0x1C03  }
0x118: {  	[timem:s3], [sflag:s2] =	dma.local @!p0 [hbm:s0], s1  }
0x119: {  	s0 =	simm.s32 @!p0 $0x3  }
0x11a: {  	_ =	swait.ge @!p0 [sflag:s0], s1  }
0x11b: {  	s1 =	ssub.s32 @!p0 $0x0, s1;
	[sflag:s0] =	ssyncset.done @!p0 $0x0  }
0x11c: {  	[sflag:s0] =	ssyncadd.s32 @!p0 s1  }
0x11d: {  	[bflag:$0x3] =	sbarrier.arrive $0xFFFF  }
0x11e: {  	_ =	shalt  }

</sc_bundles>
